<compile_context>
chip_gen: v7x
topology: tpu7x:2x2x1
jax: 0.10.2.dev20260603
libtpu: 0.0.44.dev20260713+nightly
codegen_flags: <defaults>
</compile_context>

<pallas_src>
import functools

import jax
import jax.numpy as jnp
from jax import lax
from jax.experimental import pallas as pl
from jax.experimental.pallas import tpu as pltpu
from jax.experimental.pallas import tpu_sc as plsc

TOKENS_PER_BLOCK = 64
TOKENS_PER_SUB_CHUNK = 16
SUBS_PER_BLOCK = TOKENS_PER_BLOCK // TOKENS_PER_SUB_CHUNK
NUM_PAGES = 512

_CHUNK = 2048


def _pool_body(x_ref, o_ref):
    x = x_ref[...]
    n, h, d = x.shape
    xr = x.reshape(n // TOKENS_PER_SUB_CHUNK, TOKENS_PER_SUB_CHUNK, h, d)
    o_ref[0] = jnp.min(xr, axis=1)
    o_ref[1] = jnp.max(xr, axis=1)


def _pool(keys, T, H, D):
    n_sub = T // TOKENS_PER_SUB_CHUNK
    return pl.pallas_call(
        _pool_body,
        grid=(T // _CHUNK,),
        in_specs=[pl.BlockSpec((_CHUNK, H, D), lambda i: (i, 0, 0))],
        out_specs=pl.BlockSpec(
            (2, _CHUNK // TOKENS_PER_SUB_CHUNK, H, D), lambda i: (0, i, 0, 0)
        ),
        out_shape=jax.ShapeDtypeStruct((2, n_sub, H, D), jnp.float32),
    )(keys)


def _make_sc_scatter(n_blocks, n_heads, n_pool, n_seq, max_blocks_per_seq):
    mesh = plsc.VectorSubcoreMesh(core_axis_name="c", subcore_axis_name="s")
    blocks_per_sub = n_blocks // 16
    rows_per_block = SUBS_PER_BLOCK * n_pool
    half_src = n_blocks * SUBS_PER_BLOCK * n_heads
    half_dst = NUM_PAGES * SUBS_PER_BLOCK * n_pool
    out_rows = 2 * half_dst
    n_idx = blocks_per_sub * rows_per_block
    zrows = 128

    @functools.partial(
        pl.kernel,
        mesh=mesh,
        out_type=jax.ShapeDtypeStruct((out_rows, 128), jnp.float32),
        scratch_types=[
            pltpu.VMEM((NUM_PAGES + 32,), jnp.int32),
            pltpu.VMEM((128,), jnp.int32),
            pltpu.VMEM((128,), jnp.int32),
            pltpu.VMEM((128,), jnp.int32),
            pltpu.VMEM((128,), jnp.int32),
            pltpu.VMEM((128,), jnp.int32),
            pltpu.VMEM((128,), jnp.int32),
            pltpu.VMEM((128,), jnp.int32),
            pltpu.VMEM((128,), jnp.int32),
            pltpu.VMEM((n_idx, 128), jnp.float32),
            pltpu.VMEM((zrows, 128), jnp.float32),
            pltpu.SemaphoreType.DMA,
        ],
        compiler_params=pltpu.CompilerParams(needs_layout_passes=False),
    )
    def sc_scatter(pooled_hbm, tbl_hbm, zeros_hbm, out_hbm,
                   tbl_v, idx_src_a, idx_src_b, idx_dst_a, idx_dst_b,
                   idx_z0, idx_z1, idx_z2, idx_z3, stage_v, zero_v, sem):
        c = lax.axis_index("c")
        s = lax.axis_index("s")
        cu_off = NUM_PAGES
        hd_off = NUM_PAGES + 17
        ld = [pltpu.async_copy(tbl_hbm, tbl_v, sem),
              pltpu.async_copy(zeros_hbm, zero_v, sem)]
        for h in ld:
            h.wait()
        iota = lax.iota(jnp.int32, 16)
        b_vec = s * blocks_per_sub + iota
        t_vec = b_vec * TOKENS_PER_BLOCK
        seq = jnp.zeros((16,), jnp.int32)
        for j in range(1, n_seq + 1):
            cj = plsc.load_gather(
                tbl_v, [jnp.full((16,), cu_off + j, jnp.int32)])
            seq = seq + (cj <= t_vec).astype(jnp.int32)
        cu_s = plsc.load_gather(tbl_v, [seq + cu_off])
        flat = seq * max_blocks_per_seq + (t_vec - cu_s) // TOKENS_PER_BLOCK
        pages = plsc.load_gather(tbl_v, [flat])
        src_base = (c * half_src
                    + (s * blocks_per_sub + iota) * (SUBS_PER_BLOCK * n_heads))
        dst_base = c * half_dst + pages * rows_per_block
        zsc = []
        for ch, zrefs in ((0, (idx_z0, idx_z1)), (1, (idx_z2, idx_z3))):
            e = s + 16 * (iota + 16 * ch)
            seqv = e // max_blocks_per_seq
            blkv = e % max_blocks_per_seq
            cu_lo = plsc.load_gather(tbl_v, [seqv + cu_off])
            cu_hi = plsc.load_gather(tbl_v, [seqv + 1 + cu_off])
            nblk = (cu_hi - cu_lo) // TOKENS_PER_BLOCK
            used_e = blkv < nblk
            page_e = plsc.load_gather(tbl_v, [e])
            zbase = jnp.where(used_e, dst_base,
                              c * half_dst + page_e * rows_per_block)
            for k in range(rows_per_block):
                zrefs[k // 8][pl.ds((k & 7) * 16, 16)] = zbase + k
            zsc.append(pltpu.async_copy(zero_v, out_hbm.at[zrefs[0]], sem))
            zsc.append(pltpu.async_copy(zero_v, out_hbm.at[zrefs[1]], sem))
        for k in range(rows_per_block):
            sub, h_slot = k // n_pool, k % n_pool
            head_val = plsc.load_gather(
                tbl_v, [jnp.full((16,), hd_off + h_slot, jnp.int32)])
            dst = dst_base + (sub * n_pool + h_slot)
            src = src_base + sub * n_heads + head_val
            dref = idx_dst_a if k < 8 else idx_dst_b
            sref = idx_src_a if k < 8 else idx_src_b
            dref[pl.ds((k & 7) * 16, 16)] = dst
            sref[pl.ds((k & 7) * 16, 16)] = src
        g0 = pltpu.async_copy(pooled_hbm.at[idx_src_a],
                              stage_v.at[pl.ds(0, 128)], sem)
        g1 = pltpu.async_copy(pooled_hbm.at[idx_src_b],
                              stage_v.at[pl.ds(128, 128)], sem)
        for h in zsc:
            h.wait()
        g0.wait()
        g1.wait()
        s0 = pltpu.async_copy(stage_v.at[pl.ds(0, 128)],
                              out_hbm.at[idx_dst_a], sem)
        s1 = pltpu.async_copy(stage_v.at[pl.ds(128, 128)],
                              out_hbm.at[idx_dst_b], sem)
        s0.wait()
        s1.wait()

    return sc_scatter


def kernel(keys, block_tables, cu_seqlens, pooling_heads_idx,
           num_retrieval_kv_heads):
    del num_retrieval_kv_heads
    T, H, D = keys.shape
    P = pooling_heads_idx.shape[0]
    n_seq = cu_seqlens.shape[0] - 1
    n_blocks = T // TOKENS_PER_BLOCK

    pooled = _pool(keys, T, H, D)
    pooled_rows = pooled.reshape(2 * (T // TOKENS_PER_SUB_CHUNK) * H, D)

    n_cu = cu_seqlens.shape[0]
    tbl = jnp.concatenate([
        block_tables.reshape(-1).astype(jnp.int32),
        cu_seqlens.astype(jnp.int32),
        jnp.full((17 - n_cu,), 0x3FFFFFFF, jnp.int32),
        pooling_heads_idx.astype(jnp.int32),
        jnp.zeros((32 - 17 - P,), jnp.int32),
    ])
    zeros = jnp.zeros((128, D), jnp.float32)

    scatter = _make_sc_scatter(n_blocks, H, P, n_seq, block_tables.shape[1])
    out = scatter(pooled_rows, tbl, zeros)
    return out.reshape(2, NUM_PAGES * SUBS_PER_BLOCK, P, D)

# --- scband reference (transcript-rebuilt; emitter-appended) ---
"""Pipeline reference for scband-paged-min-max-pool-wrapper-59124519796899 (READ-ONLY COPY).

The authoritative reference and input builder live on the scoring server;
editing this copy changes nothing except your own understanding.
"""

import jax, jax.numpy as jnp
import numpy as np

TOKENS_PER_BLOCK = 64
SUB_CHUNK_PER_BLOCK = 4
TOKENS_PER_SUB_CHUNK = TOKENS_PER_BLOCK // SUB_CHUNK_PER_BLOCK  # 16
NUM_PAGES = 512
NUM_KV_HEADS = 8
HEAD_DIM = 128
BATCH = 8
MAX_BLOCKS_PER_SEQ = 64  # max_seq_len 4096 / 64
TOTAL_TOKENS = 16384


def setup_inputs(seed: int = 0) -> dict:
    key = jax.random.key(seed)
    k1, k2 = jax.random.split(key)
    keys = jax.random.normal(k1, (TOTAL_TOKENS, NUM_KV_HEADS, HEAD_DIM), dtype=jnp.float32)
    # ragged lengths, each <= 4096, summing to TOTAL_TOKENS
    lengths = np.array([1024, 3072, 2048, 2048, 1536, 2560, 2048, 2048], dtype=np.int64)
    assert lengths.sum() == TOTAL_TOKENS
    cu_seqlens = jnp.asarray(np.concatenate([[0], np.cumsum(lengths)]), dtype=jnp.int32)
    # paged KV: each (seq, logical block) maps to a unique physical page
    perm = jax.random.permutation(k2, NUM_PAGES)
    block_tables = perm[: BATCH * MAX_BLOCKS_PER_SEQ].reshape(BATCH, MAX_BLOCKS_PER_SEQ).astype(jnp.int64)
    pooling_heads_idx = jnp.array([0, 2, 4, 6], dtype=jnp.int64)
    return {
        "keys": keys,
        "block_tables": block_tables,
        "cu_seqlens": cu_seqlens,
        "pooling_heads_idx": pooling_heads_idx,
        "num_retrieval_kv_heads": 8,
    }


def reference(keys, block_tables, cu_seqlens, pooling_heads_idx, num_retrieval_kv_heads):
    # Paged min/max pooling: for every sub-chunk of TOKENS_PER_SUB_CHUNK tokens
    # inside each paged block, compute elementwise min and max of the selected
    # pooling heads' key vectors, written at the physical page location given by
    # the block table. num_retrieval_kv_heads only affects the byte stride of the
    # fused kernel's output buffer, not the math.
    T = keys.shape[0]
    tok = jnp.arange(T, dtype=jnp.int32)
    # which sequence each flat token belongs to
    seq_id = jnp.searchsorted(cu_seqlens, tok, side="right") - 1
    pos = tok - cu_seqlens[seq_id]
    blk = pos // TOKENS_PER_BLOCK
    sub = (pos % TOKENS_PER_BLOCK) // TOKENS_PER_SUB_CHUNK
    page = block_tables[seq_id, blk]
    seg = (page * SUB_CHUNK_PER_BLOCK + sub).astype(jnp.int32)
    # gather only the pooling heads
    x = keys[:, pooling_heads_idx, :]  # [T, P, D]
    num_seg = NUM_PAGES * SUB_CHUNK_PER_BLOCK
    maxs = jax.ops.segment_max(x, seg, num_segments=num_seg)
    mins = -jax.ops.segment_max(-x, seg, num_segments=num_seg)
    # empty segments (pages with no tokens) come back +/-inf; zero them like an
    # untouched pool buffer
    maxs = jnp.where(jnp.isfinite(maxs), maxs, 0.0)
    mins = jnp.where(jnp.isfinite(mins), mins, 0.0)
    return jnp.stack([mins, maxs], axis=0)  # [2, NUM_PAGES*SUB_CHUNK_PER_BLOCK, P, D]

if __name__ == "__main__":
    import jax
    _d = setup_inputs()
    print(jax.jit(kernel)(*tuple(_d.values())))

</pallas_src>

<mosaic_0001>
#map = affine_map<(d0, d1) -> (0, 0)>
#map1 = affine_map<(d0, d1) -> (0)>
module attributes {stable_mosaic.version = 14 : i64} {
  func.func @sc_scatter(%arg0: i32, %arg1: i32, %arg2: memref<16384x128xf32, #tpu.memory_space<hbm>>, %arg3: memref<544xi32, #tpu.memory_space<hbm>>, %arg4: memref<128x128xf32, #tpu.memory_space<hbm>>, %arg5: memref<16384x128xf32, #tpu.memory_space<hbm>>, %arg6: memref<544xi32, #tpu.memory_space<vmem>>, %arg7: memref<128xi32, #tpu.memory_space<vmem>>, %arg8: memref<128xi32, #tpu.memory_space<vmem>>, %arg9: memref<128xi32, #tpu.memory_space<vmem>>, %arg10: memref<128xi32, #tpu.memory_space<vmem>>, %arg11: memref<128xi32, #tpu.memory_space<vmem>>, %arg12: memref<128xi32, #tpu.memory_space<vmem>>, %arg13: memref<128xi32, #tpu.memory_space<vmem>>, %arg14: memref<128xi32, #tpu.memory_space<vmem>>, %arg15: memref<256x128xf32, #tpu.memory_space<vmem>>, %arg16: memref<128x128xf32, #tpu.memory_space<vmem>>, %arg17: memref<!tpu.dma_semaphore, #tpu.memory_space<semaphore_mem>>) attributes {dimension_semantics = [#tpu.dimension_semantics<core_parallel>, #tpu.dimension_semantics<subcore_parallel>], iteration_bounds = array<i64: 2, 16>, scalar_prefetch = 0 : i64, scratch_operands = 12 : i64, tpu.core_type = #tpu.core_type<sc_vector_subcore>, window_params = [{transform_indices = #map}, {transform_indices = #map1}, {transform_indices = #map}, {transform_indices = #map}]} {
    tpu.enqueue_dma source(%arg3 : memref<544xi32, #tpu.memory_space<hbm>>) target(%arg6 : memref<544xi32, #tpu.memory_space<vmem>>) target_semaphore(%arg17 : memref<!tpu.dma_semaphore, #tpu.memory_space<semaphore_mem>>)
    tpu.enqueue_dma source(%arg4 : memref<128x128xf32, #tpu.memory_space<hbm>>) target(%arg16 : memref<128x128xf32, #tpu.memory_space<vmem>>) target_semaphore(%arg17 : memref<!tpu.dma_semaphore, #tpu.memory_space<semaphore_mem>>)
    tpu.wait_dma2 semaphore(%arg17 : memref<!tpu.dma_semaphore, #tpu.memory_space<semaphore_mem>>) src(%arg3 : memref<544xi32, #tpu.memory_space<hbm>>) dst(%arg6 : memref<544xi32, #tpu.memory_space<vmem>>)
    tpu.wait_dma2 semaphore(%arg17 : memref<!tpu.dma_semaphore, #tpu.memory_space<semaphore_mem>>) src(%arg4 : memref<128x128xf32, #tpu.memory_space<hbm>>) dst(%arg16 : memref<128x128xf32, #tpu.memory_space<vmem>>)
    %iota3A = tpu.iota {dimensions = array<i32: 0>} : vector<16xi32>
    %mul3A = arith.constant 16 : i32
    %mul3A_0 = arith.muli %arg1, %mul3A : i32
    %add3A = vector.broadcast %mul3A_0 : i32 to vector<16xi32>
    %add3A_1 = arith.addi %add3A, %iota3A : vector<16xi32>
    %mul3A_2 = arith.constant 64 : i32
    %mul3A_3 = vector.broadcast %mul3A_2 : i32 to vector<16xi32>
    %mul3A_4 = arith.muli %add3A_1, %mul3A_3 : vector<16xi32>
    %broadcast_in_dim3A = arith.constant 0 : i32
    %broadcast_in_dim3A_5 = vector.broadcast %broadcast_in_dim3A : i32 to vector<16xi32>
    %broadcast_in_dim3A_6 = arith.constant 513 : i32
    %broadcast_in_dim3A_7 = vector.broadcast %broadcast_in_dim3A_6 : i32 to vector<16xi32>
    %gather3A = tpu.vector_load_idx %arg6[%broadcast_in_dim3A_7] : memref<544xi32, #tpu.memory_space<vmem>>[vector<16xi32>], vector<16xi32>,
    %le3A = arith.cmpi sle, %gather3A, %mul3A_4 : vector<16xi32>
    %convert_element_type3A = arith.extui %le3A : vector<16xi1> to vector<16xi32>
    %add3A_8 = arith.addi %broadcast_in_dim3A_5, %convert_element_type3A : vector<16xi32>
    %broadcast_in_dim3A_9 = arith.constant 514 : i32
    %broadcast_in_dim3A_10 = vector.broadcast %broadcast_in_dim3A_9 : i32 to vector<16xi32>
    %gather3A_11 = tpu.vector_load_idx %arg6[%broadcast_in_dim3A_10] : memref<544xi32, #tpu.memory_space<vmem>>[vector<16xi32>], vector<16xi32>,
    %le3A_12 = arith.cmpi sle, %gather3A_11, %mul3A_4 : vector<16xi32>
    %convert_element_type3A_13 = arith.extui %le3A_12 : vector<16xi1> to vector<16xi32>
    %add3A_14 = arith.addi %add3A_8, %convert_element_type3A_13 : vector<16xi32>
    %broadcast_in_dim3A_15 = arith.constant 515 : i32
    %broadcast_in_dim3A_16 = vector.broadcast %broadcast_in_dim3A_15 : i32 to vector<16xi32>
    %gather3A_17 = tpu.vector_load_idx %arg6[%broadcast_in_dim3A_16] : memref<544xi32, #tpu.memory_space<vmem>>[vector<16xi32>], vector<16xi32>,
    %le3A_18 = arith.cmpi sle, %gather3A_17, %mul3A_4 : vector<16xi32>
    %convert_element_type3A_19 = arith.extui %le3A_18 : vector<16xi1> to vector<16xi32>
    %add3A_20 = arith.addi %add3A_14, %convert_element_type3A_19 : vector<16xi32>
    %broadcast_in_dim3A_21 = arith.constant 516 : i32
    %broadcast_in_dim3A_22 = vector.broadcast %broadcast_in_dim3A_21 : i32 to vector<16xi32>
    %gather3A_23 = tpu.vector_load_idx %arg6[%broadcast_in_dim3A_22] : memref<544xi32, #tpu.memory_space<vmem>>[vector<16xi32>], vector<16xi32>,
    %le3A_24 = arith.cmpi sle, %gather3A_23, %mul3A_4 : vector<16xi32>
    %convert_element_type3A_25 = arith.extui %le3A_24 : vector<16xi1> to vector<16xi32>
    %add3A_26 = arith.addi %add3A_20, %convert_element_type3A_25 : vector<16xi32>
    %broadcast_in_dim3A_27 = arith.constant 517 : i32
    %broadcast_in_dim3A_28 = vector.broadcast %broadcast_in_dim3A_27 : i32 to vector<16xi32>
    %gather3A_29 = tpu.vector_load_idx %arg6[%broadcast_in_dim3A_28] : memref<544xi32, #tpu.memory_space<vmem>>[vector<16xi32>], vector<16xi32>,
    %le3A_30 = arith.cmpi sle, %gather3A_29, %mul3A_4 : vector<16xi32>
    %convert_element_type3A_31 = arith.extui %le3A_30 : vector<16xi1> to vector<16xi32>
    %add3A_32 = arith.addi %add3A_26, %convert_element_type3A_31 : vector<16xi32>
    %broadcast_in_dim3A_33 = arith.constant 518 : i32
    %broadcast_in_dim3A_34 = vector.broadcast %broadcast_in_dim3A_33 : i32 to vector<16xi32>
    %gather3A_35 = tpu.vector_load_idx %arg6[%broadcast_in_dim3A_34] : memref<544xi32, #tpu.memory_space<vmem>>[vector<16xi32>], vector<16xi32>,
    %le3A_36 = arith.cmpi sle, %gather3A_35, %mul3A_4 : vector<16xi32>
    %convert_element_type3A_37 = arith.extui %le3A_36 : vector<16xi1> to vector<16xi32>
    %add3A_38 = arith.addi %add3A_32, %convert_element_type3A_37 : vector<16xi32>
    %broadcast_in_dim3A_39 = arith.constant 519 : i32
    %broadcast_in_dim3A_40 = vector.broadcast %broadcast_in_dim3A_39 : i32 to vector<16xi32>
    %gather3A_41 = tpu.vector_load_idx %arg6[%broadcast_in_dim3A_40] : memref<544xi32, #tpu.memory_space<vmem>>[vector<16xi32>], vector<16xi32>,
    %le3A_42 = arith.cmpi sle, %gather3A_41, %mul3A_4 : vector<16xi32>
    %convert_element_type3A_43 = arith.extui %le3A_42 : vector<16xi1> to vector<16xi32>
    %add3A_44 = arith.addi %add3A_38, %convert_element_type3A_43 : vector<16xi32>
    %broadcast_in_dim3A_45 = arith.constant 520 : i32
    %broadcast_in_dim3A_46 = vector.broadcast %broadcast_in_dim3A_45 : i32 to vector<16xi32>
    %gather3A_47 = tpu.vector_load_idx %arg6[%broadcast_in_dim3A_46] : memref<544xi32, #tpu.memory_space<vmem>>[vector<16xi32>], vector<16xi32>,
    %le3A_48 = arith.cmpi sle, %gather3A_47, %mul3A_4 : vector<16xi32>
    %convert_element_type3A_49 = arith.extui %le3A_48 : vector<16xi1> to vector<16xi32>
    %add3A_50 = arith.addi %add3A_44, %convert_element_type3A_49 : vector<16xi32>
    %add3A_51 = arith.constant 512 : i32
    %add3A_52 = vector.broadcast %add3A_51 : i32 to vector<16xi32>
    %add3A_53 = arith.addi %add3A_50, %add3A_52 : vector<16xi32>
    %gather3A_54 = tpu.vector_load_idx %arg6[%add3A_53] : memref<544xi32, #tpu.memory_space<vmem>>[vector<16xi32>], vector<16xi32>,
    %mul3A_55 = arith.constant 64 : i32
    %mul3A_56 = vector.broadcast %mul3A_55 : i32 to vector<16xi32>
    %mul3A_57 = arith.muli %add3A_50, %mul3A_56 : vector<16xi32>
    %sub3A = arith.subi %mul3A_4, %gather3A_54 : vector<16xi32>
    %jit3A = arith.constant 64 : i32
    %div3A = vector.broadcast %jit3A : i32 to vector<16xi32>
    %div3A_58 = arith.divsi %sub3A, %div3A : vector<16xi32>
    %sign3A = arith.constant 0 : i32
    %sign3A_59 = vector.broadcast %sign3A : i32 to vector<16xi32>
    %sign3A_60 = arith.cmpi sgt, %sub3A, %sign3A_59 : vector<16xi32>
    %sign3A_61 = arith.extui %sign3A_60 : vector<16xi1> to vector<16xi32>
    %sign3A_62 = arith.constant 0 : i32
    %sign3A_63 = vector.broadcast %sign3A_62 : i32 to vector<16xi32>
    %sign3A_64 = arith.cmpi slt, %sub3A, %sign3A_63 : vector<16xi32>
    %sign3A_65 = arith.extui %sign3A_64 : vector<16xi1> to vector<16xi32>
    %sign3A_66 = arith.subi %sign3A_61, %sign3A_65 : vector<16xi32>
    %sign3A_67 = arith.constant 0 : i32
    %sign3A_68 = arith.cmpi sgt, %jit3A, %sign3A_67 : i32
    %sign3A_69 = arith.extui %sign3A_68 : i1 to i32
    %sign3A_70 = arith.constant 0 : i32
    %sign3A_71 = arith.cmpi slt, %jit3A, %sign3A_70 : i32
    %sign3A_72 = arith.extui %sign3A_71 : i1 to i32
    %sign3A_73 = arith.subi %sign3A_69, %sign3A_72 : i32
    %ne3A = vector.broadcast %sign3A_73 : i32 to vector<16xi32>
    %ne3A_74 = arith.cmpi ne, %sign3A_66, %ne3A : vector<16xi32>
    %rem3A = vector.broadcast %jit3A : i32 to vector<16xi32>
    %rem3A_75 = arith.remsi %sub3A, %rem3A : vector<16xi32>
    %ne3A_76 = arith.constant 0 : i32
    %ne3A_77 = vector.broadcast %ne3A_76 : i32 to vector<16xi32>
    %ne3A_78 = arith.cmpi ne, %rem3A_75, %ne3A_77 : vector<16xi32>
    %and3A = arith.andi %ne3A_74, %ne3A_78 : vector<16xi1>
    %sub3A_79 = arith.constant 1 : i32
    %sub3A_80 = vector.broadcast %sub3A_79 : i32 to vector<16xi32>
    %sub3A_81 = arith.subi %div3A_58, %sub3A_80 : vector<16xi32>
    %select_n3A = arith.select %and3A, %sub3A_81, %div3A_58 : vector<16xi1>, vector<16xi32>
    %add3A_82 = arith.addi %mul3A_57, %select_n3A : vector<16xi32>
    %gather3A_83 = tpu.vector_load_idx %arg6[%add3A_82] : memref<544xi32, #tpu.memory_space<vmem>>[vector<16xi32>], vector<16xi32>,
    %mul3A_84 = arith.constant 8192 : i32
    %mul3A_85 = arith.muli %arg0, %mul3A_84 : i32
    %mul3A_86 = arith.constant 16 : i32
    %mul3A_87 = arith.muli %arg1, %mul3A_86 : i32
    %add3A_88 = vector.broadcast %mul3A_87 : i32 to vector<16xi32>
    %add3A_89 = arith.addi %add3A_88, %iota3A : vector<16xi32>
    %mul3A_90 = arith.constant 32 : i32
    %mul3A_91 = vector.broadcast %mul3A_90 : i32 to vector<16xi32>
    %mul3A_92 = arith.muli %add3A_89, %mul3A_91 : vector<16xi32>
    %add3A_93 = vector.broadcast %mul3A_85 : i32 to vector<16xi32>
    %add3A_94 = arith.addi %add3A_93, %mul3A_92 : vector<16xi32>
    %mul3A_95 = arith.constant 8192 : i32
    %mul3A_96 = arith.muli %arg0, %mul3A_95 : i32
    %mul3A_97 = arith.constant 16 : i32
    %mul3A_98 = vector.broadcast %mul3A_97 : i32 to vector<16xi32>
    %mul3A_99 = arith.muli %gather3A_83, %mul3A_98 : vector<16xi32>
    %add3A_100 = vector.broadcast %mul3A_96 : i32 to vector<16xi32>
    %add3A_101 = arith.addi %add3A_100, %mul3A_99 : vector<16xi32>
    %add3A_102 = arith.constant 0 : i32
    %add3A_103 = vector.broadcast %add3A_102 : i32 to vector<16xi32>
    %add3A_104 = arith.addi %iota3A, %add3A_103 : vector<16xi32>
    %mul3A_105 = arith.constant 16 : i32
    %mul3A_106 = vector.broadcast %mul3A_105 : i32 to vector<16xi32>
    %mul3A_107 = arith.muli %mul3A_106, %add3A_104 : vector<16xi32>
    %add3A_108 = vector.broadcast %arg1 : i32 to vector<16xi32>
    %add3A_109 = arith.addi %add3A_108, %mul3A_107 : vector<16xi32>
    %jit3A_110 = arith.constant 64 : i32
    %div3A_111 = vector.broadcast %jit3A_110 : i32 to vector<16xi32>
    %div3A_112 = arith.divsi %add3A_109, %div3A_111 : vector<16xi32>
    %sign3A_113 = arith.constant 0 : i32
    %sign3A_114 = vector.broadcast %sign3A_113 : i32 to vector<16xi32>
    %sign3A_115 = arith.cmpi sgt, %add3A_109, %sign3A_114 : vector<16xi32>
    %sign3A_116 = arith.extui %sign3A_115 : vector<16xi1> to vector<16xi32>
    %sign3A_117 = arith.constant 0 : i32
    %sign3A_118 = vector.broadcast %sign3A_117 : i32 to vector<16xi32>
    %sign3A_119 = arith.cmpi slt, %add3A_109, %sign3A_118 : vector<16xi32>
    %sign3A_120 = arith.extui %sign3A_119 : vector<16xi1> to vector<16xi32>
    %sign3A_121 = arith.subi %sign3A_116, %sign3A_120 : vector<16xi32>
    %sign3A_122 = arith.constant 0 : i32
    %sign3A_123 = arith.cmpi sgt, %jit3A_110, %sign3A_122 : i32
    %sign3A_124 = arith.extui %sign3A_123 : i1 to i32
    %sign3A_125 = arith.constant 0 : i32
    %sign3A_126 = arith.cmpi slt, %jit3A_110, %sign3A_125 : i32
    %sign3A_127 = arith.extui %sign3A_126 : i1 to i32
    %sign3A_128 = arith.subi %sign3A_124, %sign3A_127 : i32
    %ne3A_129 = vector.broadcast %sign3A_128 : i32 to vector<16xi32>
    %ne3A_130 = arith.cmpi ne, %sign3A_121, %ne3A_129 : vector<16xi32>
    %rem3A_131 = vector.broadcast %jit3A_110 : i32 to vector<16xi32>
    %rem3A_132 = arith.remsi %add3A_109, %rem3A_131 : vector<16xi32>
    %ne3A_133 = arith.constant 0 : i32
    %ne3A_134 = vector.broadcast %ne3A_133 : i32 to vector<16xi32>
    %ne3A_135 = arith.cmpi ne, %rem3A_132, %ne3A_134 : vector<16xi32>
    %and3A_136 = arith.andi %ne3A_130, %ne3A_135 : vector<16xi1>
    %sub3A_137 = arith.constant 1 : i32
    %sub3A_138 = vector.broadcast %sub3A_137 : i32 to vector<16xi32>
    %sub3A_139 = arith.subi %div3A_112, %sub3A_138 : vector<16xi32>
    %select_n3A_140 = arith.select %and3A_136, %sub3A_139, %div3A_112 : vector<16xi1>, vector<16xi32>
    %jit3A_141 = arith.constant 64 : i32
    %eq3A = arith.constant 0 : i32
    %eq3A_142 = arith.cmpi eq, %jit3A_141, %eq3A : i32
    %jit3A_143 = arith.constant 1 : i32
    %select_n3A_144 = arith.select %eq3A_142, %jit3A_143, %jit3A_141 : i32
    %rem3A_145 = vector.broadcast %select_n3A_144 : i32 to vector<16xi32>
    %rem3A_146 = arith.remsi %add3A_109, %rem3A_145 : vector<16xi32>
    %ne3A_147 = arith.constant 0 : i32
    %ne3A_148 = vector.broadcast %ne3A_147 : i32 to vector<16xi32>
    %ne3A_149 = arith.cmpi ne, %rem3A_146, %ne3A_148 : vector<16xi32>
    %lt3A = arith.constant 0 : i32
    %lt3A_150 = vector.broadcast %lt3A : i32 to vector<16xi32>
    %lt3A_151 = arith.cmpi slt, %rem3A_146, %lt3A_150 : vector<16xi32>
    %lt3A_152 = arith.constant 0 : i32
    %lt3A_153 = arith.cmpi slt, %select_n3A_144, %lt3A_152 : i32
    %ne3A_154 = vector.broadcast %lt3A_153 : i1 to vector<16xi1>
    %ne3A_155 = vector.broadcast %ne3A_154 : vector<16xi1> to vector<16xi1>
    %ne3A_156 = arith.xori %lt3A_151, %ne3A_155 : vector<16xi1>
    %and3A_157 = arith.andi %ne3A_156, %ne3A_149 : vector<16xi1>
    %add3A_158 = vector.broadcast %select_n3A_144 : i32 to vector<16xi32>
    %add3A_159 = arith.addi %rem3A_146, %add3A_158 : vector<16xi32>
    %select_n3A_160 = arith.select %and3A_157, %add3A_159, %rem3A_146 : vector<16xi1>, vector<16xi32>
    %add3A_161 = arith.constant 512 : i32
    %add3A_162 = vector.broadcast %add3A_161 : i32 to vector<16xi32>
    %add3A_163 = arith.addi %select_n3A_140, %add3A_162 : vector<16xi32>
    %gather3A_164 = tpu.vector_load_idx %arg6[%add3A_163] : memref<544xi32, #tpu.memory_space<vmem>>[vector<16xi32>], vector<16xi32>,
    %add3A_165 = arith.constant 1 : i32
    %add3A_166 = vector.broadcast %add3A_165 : i32 to vector<16xi32>
    %add3A_167 = arith.addi %select_n3A_140, %add3A_166 : vector<16xi32>
    %add3A_168 = arith.constant 512 : i32
    %add3A_169 = vector.broadcast %add3A_168 : i32 to vector<16xi32>
    %add3A_170 = arith.addi %add3A_167, %add3A_169 : vector<16xi32>
    %gather3A_171 = tpu.vector_load_idx %arg6[%add3A_170] : memref<544xi32, #tpu.memory_space<vmem>>[vector<16xi32>], vector<16xi32>,
    %sub3A_172 = arith.subi %gather3A_171, %gather3A_164 : vector<16xi32>
    %jit3A_173 = arith.constant 64 : i32
    %div3A_174 = vector.broadcast %jit3A_173 : i32 to vector<16xi32>
    %div3A_175 = arith.divsi %sub3A_172, %div3A_174 : vector<16xi32>
    %sign3A_176 = arith.constant 0 : i32
    %sign3A_177 = vector.broadcast %sign3A_176 : i32 to vector<16xi32>
    %sign3A_178 = arith.cmpi sgt, %sub3A_172, %sign3A_177 : vector<16xi32>
    %sign3A_179 = arith.extui %sign3A_178 : vector<16xi1> to vector<16xi32>
    %sign3A_180 = arith.constant 0 : i32
    %sign3A_181 = vector.broadcast %sign3A_180 : i32 to vector<16xi32>
    %sign3A_182 = arith.cmpi slt, %sub3A_172, %sign3A_181 : vector<16xi32>
    %sign3A_183 = arith.extui %sign3A_182 : vector<16xi1> to vector<16xi32>
    %sign3A_184 = arith.subi %sign3A_179, %sign3A_183 : vector<16xi32>
    %sign3A_185 = arith.constant 0 : i32
    %sign3A_186 = arith.cmpi sgt, %jit3A_173, %sign3A_185 : i32
    %sign3A_187 = arith.extui %sign3A_186 : i1 to i32
    %sign3A_188 = arith.constant 0 : i32
    %sign3A_189 = arith.cmpi slt, %jit3A_173, %sign3A_188 : i32
    %sign3A_190 = arith.extui %sign3A_189 : i1 to i32
    %sign3A_191 = arith.subi %sign3A_187, %sign3A_190 : i32
    %ne3A_192 = vector.broadcast %sign3A_191 : i32 to vector<16xi32>
    %ne3A_193 = arith.cmpi ne, %sign3A_184, %ne3A_192 : vector<16xi32>
    %rem3A_194 = vector.broadcast %jit3A_173 : i32 to vector<16xi32>
    %rem3A_195 = arith.remsi %sub3A_172, %rem3A_194 : vector<16xi32>
    %ne3A_196 = arith.constant 0 : i32
    %ne3A_197 = vector.broadcast %ne3A_196 : i32 to vector<16xi32>
    %ne3A_198 = arith.cmpi ne, %rem3A_195, %ne3A_197 : vector<16xi32>
    %and3A_199 = arith.andi %ne3A_193, %ne3A_198 : vector<16xi1>
    %sub3A_200 = arith.constant 1 : i32
    %sub3A_201 = vector.broadcast %sub3A_200 : i32 to vector<16xi32>
    %sub3A_202 = arith.subi %div3A_175, %sub3A_201 : vector<16xi32>
    %select_n3A_203 = arith.select %and3A_199, %sub3A_202, %div3A_175 : vector<16xi1>, vector<16xi32>
    %lt3A_204 = arith.cmpi slt, %select_n3A_160, %select_n3A_203 : vector<16xi32>
    %gather3A_205 = tpu.vector_load_idx %arg6[%add3A_109] : memref<544xi32, #tpu.memory_space<vmem>>[vector<16xi32>], vector<16xi32>,
    %mul3A_206 = arith.constant 8192 : i32
    %mul3A_207 = arith.muli %arg0, %mul3A_206 : i32
    %mul3A_208 = arith.constant 16 : i32
    %mul3A_209 = vector.broadcast %mul3A_208 : i32 to vector<16xi32>
    %mul3A_210 = arith.muli %gather3A_205, %mul3A_209 : vector<16xi32>
    %add3A_211 = vector.broadcast %mul3A_207 : i32 to vector<16xi32>
    %add3A_212 = arith.addi %add3A_211, %mul3A_210 : vector<16xi32>
    %select_n3A_213 = arith.select %lt3A_204, %add3A_101, %add3A_212 : vector<16xi1>, vector<16xi32>
    %add3A_214 = arith.constant 0 : i32
    %add3A_215 = vector.broadcast %add3A_214 : i32 to vector<16xi32>
    %add3A_216 = arith.addi %select_n3A_213, %add3A_215 : vector<16xi32>
    %swap3A = arith.constant 0 : index
    %swap3A_217 = tpu.vector_load %arg11[%swap3A] {strides = array<i32>} : memref<128xi32, #tpu.memory_space<vmem>>, vector<16xi32>,
    tpu.vector_store %arg11[%swap3A], %add3A_216 {strides = array<i32>} : memref<128xi32, #tpu.memory_space<vmem>>, vector<16xi32>,
    %add3A_218 = arith.constant 1 : i32
    %add3A_219 = vector.broadcast %add3A_218 : i32 to vector<16xi32>
    %add3A_220 = arith.addi %select_n3A_213, %add3A_219 : vector<16xi32>
    %swap3A_221 = arith.constant 16 : index
    %swap3A_222 = tpu.vector_load %arg11[%swap3A_221] {strides = array<i32>} : memref<128xi32, #tpu.memory_space<vmem>>, vector<16xi32>,
    tpu.vector_store %arg11[%swap3A_221], %add3A_220 {strides = array<i32>} : memref<128xi32, #tpu.memory_space<vmem>>, vector<16xi32>,
    %add3A_223 = arith.constant 2 : i32
    %add3A_224 = vector.broadcast %add3A_223 : i32 to vector<16xi32>
    %add3A_225 = arith.addi %select_n3A_213, %add3A_224 : vector<16xi32>
    %swap3A_226 = arith.constant 32 : index
    %swap3A_227 = tpu.vector_load %arg11[%swap3A_226] {strides = array<i32>} : memref<128xi32, #tpu.memory_space<vmem>>, vector<16xi32>,
    tpu.vector_store %arg11[%swap3A_226], %add3A_225 {strides = array<i32>} : memref<128xi32, #tpu.memory_space<vmem>>, vector<16xi32>,
    %add3A_228 = arith.constant 3 : i32
    %add3A_229 = vector.broadcast %add3A_228 : i32 to vector<16xi32>
    %add3A_230 = arith.addi %select_n3A_213, %add3A_229 : vector<16xi32>
    %swap3A_231 = arith.constant 48 : index
    %swap3A_232 = tpu.vector_load %arg11[%swap3A_231] {strides = array<i32>} : memref<128xi32, #tpu.memory_space<vmem>>, vector<16xi32>,
    tpu.vector_store %arg11[%swap3A_231], %add3A_230 {strides = array<i32>} : memref<128xi32, #tpu.memory_space<vmem>>, vector<16xi32>,
    %add3A_233 = arith.constant 4 : i32
    %add3A_234 = vector.broadcast %add3A_233 : i32 to vector<16xi32>
    %add3A_235 = arith.addi %select_n3A_213, %add3A_234 : vector<16xi32>
    %swap3A_236 = arith.constant 64 : index
    %swap3A_237 = tpu.vector_load %arg11[%swap3A_236] {strides = array<i32>} : memref<128xi32, #tpu.memory_space<vmem>>, vector<16xi32>,
    tpu.vector_store %arg11[%swap3A_236], %add3A_235 {strides = array<i32>} : memref<128xi32, #tpu.memory_space<vmem>>, vector<16xi32>,
    %add3A_238 = arith.constant 5 : i32
    %add3A_239 = vector.broadcast %add3A_238 : i32 to vector<16xi32>
    %add3A_240 = arith.addi %select_n3A_213, %add3A_239 : vector<16xi32>
    %swap3A_241 = arith.constant 80 : index
    %swap3A_242 = tpu.vector_load %arg11[%swap3A_241] {strides = array<i32>} : memref<128xi32, #tpu.memory_space<vmem>>, vector<16xi32>,
    tpu.vector_store %arg11[%swap3A_241], %add3A_240 {strides = array<i32>} : memref<128xi32, #tpu.memory_space<vmem>>, vector<16xi32>,
    %add3A_243 = arith.constant 6 : i32
    %add3A_244 = vector.broadcast %add3A_243 : i32 to vector<16xi32>
    %add3A_245 = arith.addi %select_n3A_213, %add3A_244 : vector<16xi32>
    %swap3A_246 = arith.constant 96 : index
    %swap3A_247 = tpu.vector_load %arg11[%swap3A_246] {strides = array<i32>} : memref<128xi32, #tpu.memory_space<vmem>>, vector<16xi32>,
    tpu.vector_store %arg11[%swap3A_246], %add3A_245 {strides = array<i32>} : memref<128xi32, #tpu.memory_space<vmem>>, vector<16xi32>,
    %add3A_248 = arith.constant 7 : i32
    %add3A_249 = vector.broadcast %add3A_248 : i32 to vector<16xi32>
    %add3A_250 = arith.addi %select_n3A_213, %add3A_249 : vector<16xi32>
    %swap3A_251 = arith.constant 112 : index
    %swap3A_252 = tpu.vector_load %arg11[%swap3A_251] {strides = array<i32>} : memref<128xi32, #tpu.memory_space<vmem>>, vector<16xi32>,
    tpu.vector_store %arg11[%swap3A_251], %add3A_250 {strides = array<i32>} : memref<128xi32, #tpu.memory_space<vmem>>, vector<16xi32>,
    %add3A_253 = arith.constant 8 : i32
    %add3A_254 = vector.broadcast %add3A_253 : i32 to vector<16xi32>
    %add3A_255 = arith.addi %select_n3A_213, %add3A_254 : vector<16xi32>
    %swap3A_256 = arith.constant 0 : index
    %swap3A_257 = tpu.vector_load %arg12[%swap3A_256] {strides = array<i32>} : memref<128xi32, #tpu.memory_space<vmem>>, vector<16xi32>,
    tpu.vector_store %arg12[%swap3A_256], %add3A_255 {strides = array<i32>} : memref<128xi32, #tpu.memory_space<vmem>>, vector<16xi32>,
    %add3A_258 = arith.constant 9 : i32
    %add3A_259 = vector.broadcast %add3A_258 : i32 to vector<16xi32>
    %add3A_260 = arith.addi %select_n3A_213, %add3A_259 : vector<16xi32>
    %swap3A_261 = arith.constant 16 : index
    %swap3A_262 = tpu.vector_load %arg12[%swap3A_261] {strides = array<i32>} : memref<128xi32, #tpu.memory_space<vmem>>, vector<16xi32>,
    tpu.vector_store %arg12[%swap3A_261], %add3A_260 {strides = array<i32>} : memref<128xi32, #tpu.memory_space<vmem>>, vector<16xi32>,
    %add3A_263 = arith.constant 10 : i32
    %add3A_264 = vector.broadcast %add3A_263 : i32 to vector<16xi32>
    %add3A_265 = arith.addi %select_n3A_213, %add3A_264 : vector<16xi32>
    %swap3A_266 = arith.constant 32 : index
    %swap3A_267 = tpu.vector_load %arg12[%swap3A_266] {strides = array<i32>} : memref<128xi32, #tpu.memory_space<vmem>>, vector<16xi32>,
    tpu.vector_store %arg12[%swap3A_266], %add3A_265 {strides = array<i32>} : memref<128xi32, #tpu.memory_space<vmem>>, vector<16xi32>,
    %add3A_268 = arith.constant 11 : i32
    %add3A_269 = vector.broadcast %add3A_268 : i32 to vector<16xi32>
    %add3A_270 = arith.addi %select_n3A_213, %add3A_269 : vector<16xi32>
    %swap3A_271 = arith.constant 48 : index
    %swap3A_272 = tpu.vector_load %arg12[%swap3A_271] {strides = array<i32>} : memref<128xi32, #tpu.memory_space<vmem>>, vector<16xi32>,
    tpu.vector_store %arg12[%swap3A_271], %add3A_270 {strides = array<i32>} : memref<128xi32, #tpu.memory_space<vmem>>, vector<16xi32>,
    %add3A_273 = arith.constant 12 : i32
    %add3A_274 = vector.broadcast %add3A_273 : i32 to vector<16xi32>
    %add3A_275 = arith.addi %select_n3A_213, %add3A_274 : vector<16xi32>
    %swap3A_276 = arith.constant 64 : index
    %swap3A_277 = tpu.vector_load %arg12[%swap3A_276] {strides = array<i32>} : memref<128xi32, #tpu.memory_space<vmem>>, vector<16xi32>,
    tpu.vector_store %arg12[%swap3A_276], %add3A_275 {strides = array<i32>} : memref<128xi32, #tpu.memory_space<vmem>>, vector<16xi32>,
    %add3A_278 = arith.constant 13 : i32
    %add3A_279 = vector.broadcast %add3A_278 : i32 to vector<16xi32>
    %add3A_280 = arith.addi %select_n3A_213, %add3A_279 : vector<16xi32>
    %swap3A_281 = arith.constant 80 : index
    %swap3A_282 = tpu.vector_load %arg12[%swap3A_281] {strides = array<i32>} : memref<128xi32, #tpu.memory_space<vmem>>, vector<16xi32>,
    tpu.vector_store %arg12[%swap3A_281], %add3A_280 {strides = array<i32>} : memref<128xi32, #tpu.memory_space<vmem>>, vector<16xi32>,
    %add3A_283 = arith.constant 14 : i32
    %add3A_284 = vector.broadcast %add3A_283 : i32 to vector<16xi32>
    %add3A_285 = arith.addi %select_n3A_213, %add3A_284 : vector<16xi32>
    %swap3A_286 = arith.constant 96 : index
    %swap3A_287 = tpu.vector_load %arg12[%swap3A_286] {strides = array<i32>} : memref<128xi32, #tpu.memory_space<vmem>>, vector<16xi32>,
    tpu.vector_store %arg12[%swap3A_286], %add3A_285 {strides = array<i32>} : memref<128xi32, #tpu.memory_space<vmem>>, vector<16xi32>,
    %add3A_288 = arith.constant 15 : i32
    %add3A_289 = vector.broadcast %add3A_288 : i32 to vector<16xi32>
    %add3A_290 = arith.addi %select_n3A_213, %add3A_289 : vector<16xi32>
    %swap3A_291 = arith.constant 112 : index
    %swap3A_292 = tpu.vector_load %arg12[%swap3A_291] {strides = array<i32>} : memref<128xi32, #tpu.memory_space<vmem>>, vector<16xi32>,
    tpu.vector_store %arg12[%swap3A_291], %add3A_290 {strides = array<i32>} : memref<128xi32, #tpu.memory_space<vmem>>, vector<16xi32>,
    %dma_start3A = arith.constant 0 : i32
    %dma_start3A_293 = arith.constant 0 : i32
    %dma_start3A_294 = tpu.memref_slice %arg5[%dma_start3A, %dma_start3A_293] : memref<16384x128xf32, #tpu.memory_space<hbm>> -> memref<16384x128xf32, #tpu.memory_space<hbm>>
    tpu.enqueue_indirect_dma source(%arg16 : memref<128x128xf32, #tpu.memory_space<vmem>>) target(%dma_start3A_294 : memref<16384x128xf32, #tpu.memory_space<hbm>>) offsets(%arg11 : memref<128xi32, #tpu.memory_space<vmem>>) semaphore(%arg17 : memref<!tpu.dma_semaphore, #tpu.memory_space<semaphore_mem>>)
    %dma_start3A_295 = arith.constant 0 : i32
    %dma_start3A_296 = arith.constant 0 : i32
    %dma_start3A_297 = tpu.memref_slice %arg5[%dma_start3A_295, %dma_start3A_296] : memref<16384x128xf32, #tpu.memory_space<hbm>> -> memref<16384x128xf32, #tpu.memory_space<hbm>>
    tpu.enqueue_indirect_dma source(%arg16 : memref<128x128xf32, #tpu.memory_space<vmem>>) target(%dma_start3A_297 : memref<16384x128xf32, #tpu.memory_space<hbm>>) offsets(%arg12 : memref<128xi32, #tpu.memory_space<vmem>>) semaphore(%arg17 : memref<!tpu.dma_semaphore, #tpu.memory_space<semaphore_mem>>)
    %add3A_298 = arith.constant 16 : i32
    %add3A_299 = vector.broadcast %add3A_298 : i32 to vector<16xi32>
    %add3A_300 = arith.addi %iota3A, %add3A_299 : vector<16xi32>
    %mul3A_301 = arith.constant 16 : i32
    %mul3A_302 = vector.broadcast %mul3A_301 : i32 to vector<16xi32>
    %mul3A_303 = arith.muli %mul3A_302, %add3A_300 : vector<16xi32>
    %add3A_304 = vector.broadcast %arg1 : i32 to vector<16xi32>
    %add3A_305 = arith.addi %add3A_304, %mul3A_303 : vector<16xi32>
    %jit3A_306 = arith.constant 64 : i32
    %div3A_307 = vector.broadcast %jit3A_306 : i32 to vector<16xi32>
    %div3A_308 = arith.divsi %add3A_305, %div3A_307 : vector<16xi32>
    %sign3A_309 = arith.constant 0 : i32
    %sign3A_310 = vector.broadcast %sign3A_309 : i32 to vector<16xi32>
    %sign3A_311 = arith.cmpi sgt, %add3A_305, %sign3A_310 : vector<16xi32>
    %sign3A_312 = arith.extui %sign3A_311 : vector<16xi1> to vector<16xi32>
    %sign3A_313 = arith.constant 0 : i32
    %sign3A_314 = vector.broadcast %sign3A_313 : i32 to vector<16xi32>
    %sign3A_315 = arith.cmpi slt, %add3A_305, %sign3A_314 : vector<16xi32>
    %sign3A_316 = arith.extui %sign3A_315 : vector<16xi1> to vector<16xi32>
    %sign3A_317 = arith.subi %sign3A_312, %sign3A_316 : vector<16xi32>
    %sign3A_318 = arith.constant 0 : i32
    %sign3A_319 = arith.cmpi sgt, %jit3A_306, %sign3A_318 : i32
    %sign3A_320 = arith.extui %sign3A_319 : i1 to i32
    %sign3A_321 = arith.constant 0 : i32
    %sign3A_322 = arith.cmpi slt, %jit3A_306, %sign3A_321 : i32
    %sign3A_323 = arith.extui %sign3A_322 : i1 to i32
    %sign3A_324 = arith.subi %sign3A_320, %sign3A_323 : i32
    %ne3A_325 = vector.broadcast %sign3A_324 : i32 to vector<16xi32>
    %ne3A_326 = arith.cmpi ne, %sign3A_317, %ne3A_325 : vector<16xi32>
    %rem3A_327 = vector.broadcast %jit3A_306 : i32 to vector<16xi32>
    %rem3A_328 = arith.remsi %add3A_305, %rem3A_327 : vector<16xi32>
    %ne3A_329 = arith.constant 0 : i32
    %ne3A_330 = vector.broadcast %ne3A_329 : i32 to vector<16xi32>
    %ne3A_331 = arith.cmpi ne, %rem3A_328, %ne3A_330 : vector<16xi32>
    %and3A_332 = arith.andi %ne3A_326, %ne3A_331 : vector<16xi1>
    %sub3A_333 = arith.constant 1 : i32
    %sub3A_334 = vector.broadcast %sub3A_333 : i32 to vector<16xi32>
    %sub3A_335 = arith.subi %div3A_308, %sub3A_334 : vector<16xi32>
    %select_n3A_336 = arith.select %and3A_332, %sub3A_335, %div3A_308 : vector<16xi1>, vector<16xi32>
    %jit3A_337 = arith.constant 64 : i32
    %eq3A_338 = arith.constant 0 : i32
    %eq3A_339 = arith.cmpi eq, %jit3A_337, %eq3A_338 : i32
    %jit3A_340 = arith.constant 1 : i32
    %select_n3A_341 = arith.select %eq3A_339, %jit3A_340, %jit3A_337 : i32
    %rem3A_342 = vector.broadcast %select_n3A_341 : i32 to vector<16xi32>
    %rem3A_343 = arith.remsi %add3A_305, %rem3A_342 : vector<16xi32>
    %ne3A_344 = arith.constant 0 : i32
    %ne3A_345 = vector.broadcast %ne3A_344 : i32 to vector<16xi32>
    %ne3A_346 = arith.cmpi ne, %rem3A_343, %ne3A_345 : vector<16xi32>
    %lt3A_347 = arith.constant 0 : i32
    %lt3A_348 = vector.broadcast %lt3A_347 : i32 to vector<16xi32>
    %lt3A_349 = arith.cmpi slt, %rem3A_343, %lt3A_348 : vector<16xi32>
    %lt3A_350 = arith.constant 0 : i32
    %lt3A_351 = arith.cmpi slt, %select_n3A_341, %lt3A_350 : i32
    %ne3A_352 = vector.broadcast %lt3A_351 : i1 to vector<16xi1>
    %ne3A_353 = vector.broadcast %ne3A_352 : vector<16xi1> to vector<16xi1>
    %ne3A_354 = arith.xori %lt3A_349, %ne3A_353 : vector<16xi1>
    %and3A_355 = arith.andi %ne3A_354, %ne3A_346 : vector<16xi1>
    %add3A_356 = vector.broadcast %select_n3A_341 : i32 to vector<16xi32>
    %add3A_357 = arith.addi %rem3A_343, %add3A_356 : vector<16xi32>
    %select_n3A_358 = arith.select %and3A_355, %add3A_357, %rem3A_343 : vector<16xi1>, vector<16xi32>
    %add3A_359 = arith.constant 512 : i32
    %add3A_360 = vector.broadcast %add3A_359 : i32 to vector<16xi32>
    %add3A_361 = arith.addi %select_n3A_336, %add3A_360 : vector<16xi32>
    %gather3A_362 = tpu.vector_load_idx %arg6[%add3A_361] : memref<544xi32, #tpu.memory_space<vmem>>[vector<16xi32>], vector<16xi32>,
    %add3A_363 = arith.constant 1 : i32
    %add3A_364 = vector.broadcast %add3A_363 : i32 to vector<16xi32>
    %add3A_365 = arith.addi %select_n3A_336, %add3A_364 : vector<16xi32>
    %add3A_366 = arith.constant 512 : i32
    %add3A_367 = vector.broadcast %add3A_366 : i32 to vector<16xi32>
    %add3A_368 = arith.addi %add3A_365, %add3A_367 : vector<16xi32>
    %gather3A_369 = tpu.vector_load_idx %arg6[%add3A_368] : memref<544xi32, #tpu.memory_space<vmem>>[vector<16xi32>], vector<16xi32>,
    %sub3A_370 = arith.subi %gather3A_369, %gather3A_362 : vector<16xi32>
    %jit3A_371 = arith.constant 64 : i32
    %div3A_372 = vector.broadcast %jit3A_371 : i32 to vector<16xi32>
    %div3A_373 = arith.divsi %sub3A_370, %div3A_372 : vector<16xi32>
    %sign3A_374 = arith.constant 0 : i32
    %sign3A_375 = vector.broadcast %sign3A_374 : i32 to vector<16xi32>
    %sign3A_376 = arith.cmpi sgt, %sub3A_370, %sign3A_375 : vector<16xi32>
    %sign3A_377 = arith.extui %sign3A_376 : vector<16xi1> to vector<16xi32>
    %sign3A_378 = arith.constant 0 : i32
    %sign3A_379 = vector.broadcast %sign3A_378 : i32 to vector<16xi32>
    %sign3A_380 = arith.cmpi slt, %sub3A_370, %sign3A_379 : vector<16xi32>
    %sign3A_381 = arith.extui %sign3A_380 : vector<16xi1> to vector<16xi32>
    %sign3A_382 = arith.subi %sign3A_377, %sign3A_381 : vector<16xi32>
    %sign3A_383 = arith.constant 0 : i32
    %sign3A_384 = arith.cmpi sgt, %jit3A_371, %sign3A_383 : i32
    %sign3A_385 = arith.extui %sign3A_384 : i1 to i32
    %sign3A_386 = arith.constant 0 : i32
    %sign3A_387 = arith.cmpi slt, %jit3A_371, %sign3A_386 : i32
    %sign3A_388 = arith.extui %sign3A_387 : i1 to i32
    %sign3A_389 = arith.subi %sign3A_385, %sign3A_388 : i32
    %ne3A_390 = vector.broadcast %sign3A_389 : i32 to vector<16xi32>
    %ne3A_391 = arith.cmpi ne, %sign3A_382, %ne3A_390 : vector<16xi32>
    %rem3A_392 = vector.broadcast %jit3A_371 : i32 to vector<16xi32>
    %rem3A_393 = arith.remsi %sub3A_370, %rem3A_392 : vector<16xi32>
    %ne3A_394 = arith.constant 0 : i32
    %ne3A_395 = vector.broadcast %ne3A_394 : i32 to vector<16xi32>
    %ne3A_396 = arith.cmpi ne, %rem3A_393, %ne3A_395 : vector<16xi32>
    %and3A_397 = arith.andi %ne3A_391, %ne3A_396 : vector<16xi1>
    %sub3A_398 = arith.constant 1 : i32
    %sub3A_399 = vector.broadcast %sub3A_398 : i32 to vector<16xi32>
    %sub3A_400 = arith.subi %div3A_373, %sub3A_399 : vector<16xi32>
    %select_n3A_401 = arith.select %and3A_397, %sub3A_400, %div3A_373 : vector<16xi1>, vector<16xi32>
    %lt3A_402 = arith.cmpi slt, %select_n3A_358, %select_n3A_401 : vector<16xi32>
    %gather3A_403 = tpu.vector_load_idx %arg6[%add3A_305] : memref<544xi32, #tpu.memory_space<vmem>>[vector<16xi32>], vector<16xi32>,
    %mul3A_404 = arith.constant 8192 : i32
    %mul3A_405 = arith.muli %arg0, %mul3A_404 : i32
    %mul3A_406 = arith.constant 16 : i32
    %mul3A_407 = vector.broadcast %mul3A_406 : i32 to vector<16xi32>
    %mul3A_408 = arith.muli %gather3A_403, %mul3A_407 : vector<16xi32>
    %add3A_409 = vector.broadcast %mul3A_405 : i32 to vector<16xi32>
    %add3A_410 = arith.addi %add3A_409, %mul3A_408 : vector<16xi32>
    %select_n3A_411 = arith.select %lt3A_402, %add3A_101, %add3A_410 : vector<16xi1>, vector<16xi32>
    %add3A_412 = arith.constant 0 : i32
    %add3A_413 = vector.broadcast %add3A_412 : i32 to vector<16xi32>
    %add3A_414 = arith.addi %select_n3A_411, %add3A_413 : vector<16xi32>
    %swap3A_415 = arith.constant 0 : index
    %swap3A_416 = tpu.vector_load %arg13[%swap3A_415] {strides = array<i32>} : memref<128xi32, #tpu.memory_space<vmem>>, vector<16xi32>,
    tpu.vector_store %arg13[%swap3A_415], %add3A_414 {strides = array<i32>} : memref<128xi32, #tpu.memory_space<vmem>>, vector<16xi32>,
    %add3A_417 = arith.constant 1 : i32
    %add3A_418 = vector.broadcast %add3A_417 : i32 to vector<16xi32>
    %add3A_419 = arith.addi %select_n3A_411, %add3A_418 : vector<16xi32>
    %swap3A_420 = arith.constant 16 : index
    %swap3A_421 = tpu.vector_load %arg13[%swap3A_420] {strides = array<i32>} : memref<128xi32, #tpu.memory_space<vmem>>, vector<16xi32>,
    tpu.vector_store %arg13[%swap3A_420], %add3A_419 {strides = array<i32>} : memref<128xi32, #tpu.memory_space<vmem>>, vector<16xi32>,
    %add3A_422 = arith.constant 2 : i32
    %add3A_423 = vector.broadcast %add3A_422 : i32 to vector<16xi32>
    %add3A_424 = arith.addi %select_n3A_411, %add3A_423 : vector<16xi32>
    %swap3A_425 = arith.constant 32 : index
    %swap3A_426 = tpu.vector_load %arg13[%swap3A_425] {strides = array<i32>} : memref<128xi32, #tpu.memory_space<vmem>>, vector<16xi32>,
    tpu.vector_store %arg13[%swap3A_425], %add3A_424 {strides = array<i32>} : memref<128xi32, #tpu.memory_space<vmem>>, vector<16xi32>,
    %add3A_427 = arith.constant 3 : i32
    %add3A_428 = vector.broadcast %add3A_427 : i32 to vector<16xi32>
    %add3A_429 = arith.addi %select_n3A_411, %add3A_428 : vector<16xi32>
    %swap3A_430 = arith.constant 48 : index
    %swap3A_431 = tpu.vector_load %arg13[%swap3A_430] {strides = array<i32>} : memref<128xi32, #tpu.memory_space<vmem>>, vector<16xi32>,
    tpu.vector_store %arg13[%swap3A_430], %add3A_429 {strides = array<i32>} : memref<128xi32, #tpu.memory_space<vmem>>, vector<16xi32>,
    %add3A_432 = arith.constant 4 : i32
    %add3A_433 = vector.broadcast %add3A_432 : i32 to vector<16xi32>
    %add3A_434 = arith.addi %select_n3A_411, %add3A_433 : vector<16xi32>
    %swap3A_435 = arith.constant 64 : index
    %swap3A_436 = tpu.vector_load %arg13[%swap3A_435] {strides = array<i32>} : memref<128xi32, #tpu.memory_space<vmem>>, vector<16xi32>,
    tpu.vector_store %arg13[%swap3A_435], %add3A_434 {strides = array<i32>} : memref<128xi32, #tpu.memory_space<vmem>>, vector<16xi32>,
    %add3A_437 = arith.constant 5 : i32
    %add3A_438 = vector.broadcast %add3A_437 : i32 to vector<16xi32>
    %add3A_439 = arith.addi %select_n3A_411, %add3A_438 : vector<16xi32>
    %swap3A_440 = arith.constant 80 : index
    %swap3A_441 = tpu.vector_load %arg13[%swap3A_440] {strides = array<i32>} : memref<128xi32, #tpu.memory_space<vmem>>, vector<16xi32>,
    tpu.vector_store %arg13[%swap3A_440], %add3A_439 {strides = array<i32>} : memref<128xi32, #tpu.memory_space<vmem>>, vector<16xi32>,
    %add3A_442 = arith.constant 6 : i32
    %add3A_443 = vector.broadcast %add3A_442 : i32 to vector<16xi32>
    %add3A_444 = arith.addi %select_n3A_411, %add3A_443 : vector<16xi32>
    %swap3A_445 = arith.constant 96 : index
    %swap3A_446 = tpu.vector_load %arg13[%swap3A_445] {strides = array<i32>} : memref<128xi32, #tpu.memory_space<vmem>>, vector<16xi32>,
    tpu.vector_store %arg13[%swap3A_445], %add3A_444 {strides = array<i32>} : memref<128xi32, #tpu.memory_space<vmem>>, vector<16xi32>,
    %add3A_447 = arith.constant 7 : i32
    %add3A_448 = vector.broadcast %add3A_447 : i32 to vector<16xi32>
    %add3A_449 = arith.addi %select_n3A_411, %add3A_448 : vector<16xi32>
    %swap3A_450 = arith.constant 112 : index
    %swap3A_451 = tpu.vector_load %arg13[%swap3A_450] {strides = array<i32>} : memref<128xi32, #tpu.memory_space<vmem>>, vector<16xi32>,
    tpu.vector_store %arg13[%swap3A_450], %add3A_449 {strides = array<i32>} : memref<128xi32, #tpu.memory_space<vmem>>, vector<16xi32>,
    %add3A_452 = arith.constant 8 : i32
    %add3A_453 = vector.broadcast %add3A_452 : i32 to vector<16xi32>
    %add3A_454 = arith.addi %select_n3A_411, %add3A_453 : vector<16xi32>
    %swap3A_455 = arith.constant 0 : index
    %swap3A_456 = tpu.vector_load %arg14[%swap3A_455] {strides = array<i32>} : memref<128xi32, #tpu.memory_space<vmem>>, vector<16xi32>,
    tpu.vector_store %arg14[%swap3A_455], %add3A_454 {strides = array<i32>} : memref<128xi32, #tpu.memory_space<vmem>>, vector<16xi32>,
    %add3A_457 = arith.constant 9 : i32
    %add3A_458 = vector.broadcast %add3A_457 : i32 to vector<16xi32>
    %add3A_459 = arith.addi %select_n3A_411, %add3A_458 : vector<16xi32>
    %swap3A_460 = arith.constant 16 : index
    %swap3A_461 = tpu.vector_load %arg14[%swap3A_460] {strides = array<i32>} : memref<128xi32, #tpu.memory_space<vmem>>, vector<16xi32>,
    tpu.vector_store %arg14[%swap3A_460], %add3A_459 {strides = array<i32>} : memref<128xi32, #tpu.memory_space<vmem>>, vector<16xi32>,
    %add3A_462 = arith.constant 10 : i32
    %add3A_463 = vector.broadcast %add3A_462 : i32 to vector<16xi32>
    %add3A_464 = arith.addi %select_n3A_411, %add3A_463 : vector<16xi32>
    %swap3A_465 = arith.constant 32 : index
    %swap3A_466 = tpu.vector_load %arg14[%swap3A_465] {strides = array<i32>} : memref<128xi32, #tpu.memory_space<vmem>>, vector<16xi32>,
    tpu.vector_store %arg14[%swap3A_465], %add3A_464 {strides = array<i32>} : memref<128xi32, #tpu.memory_space<vmem>>, vector<16xi32>,
    %add3A_467 = arith.constant 11 : i32
    %add3A_468 = vector.broadcast %add3A_467 : i32 to vector<16xi32>
    %add3A_469 = arith.addi %select_n3A_411, %add3A_468 : vector<16xi32>
    %swap3A_470 = arith.constant 48 : index
    %swap3A_471 = tpu.vector_load %arg14[%swap3A_470] {strides = array<i32>} : memref<128xi32, #tpu.memory_space<vmem>>, vector<16xi32>,
    tpu.vector_store %arg14[%swap3A_470], %add3A_469 {strides = array<i32>} : memref<128xi32, #tpu.memory_space<vmem>>, vector<16xi32>,
    %add3A_472 = arith.constant 12 : i32
    %add3A_473 = vector.broadcast %add3A_472 : i32 to vector<16xi32>
    %add3A_474 = arith.addi %select_n3A_411, %add3A_473 : vector<16xi32>
    %swap3A_475 = arith.constant 64 : index
    %swap3A_476 = tpu.vector_load %arg14[%swap3A_475] {strides = array<i32>} : memref<128xi32, #tpu.memory_space<vmem>>, vector<16xi32>,
    tpu.vector_store %arg14[%swap3A_475], %add3A_474 {strides = array<i32>} : memref<128xi32, #tpu.memory_space<vmem>>, vector<16xi32>,
    %add3A_477 = arith.constant 13 : i32
    %add3A_478 = vector.broadcast %add3A_477 : i32 to vector<16xi32>
    %add3A_479 = arith.addi %select_n3A_411, %add3A_478 : vector<16xi32>
    %swap3A_480 = arith.constant 80 : index
    %swap3A_481 = tpu.vector_load %arg14[%swap3A_480] {strides = array<i32>} : memref<128xi32, #tpu.memory_space<vmem>>, vector<16xi32>,
    tpu.vector_store %arg14[%swap3A_480], %add3A_479 {strides = array<i32>} : memref<128xi32, #tpu.memory_space<vmem>>, vector<16xi32>,
    %add3A_482 = arith.constant 14 : i32
    %add3A_483 = vector.broadcast %add3A_482 : i32 to vector<16xi32>
    %add3A_484 = arith.addi %select_n3A_411, %add3A_483 : vector<16xi32>
    %swap3A_485 = arith.constant 96 : index
    %swap3A_486 = tpu.vector_load %arg14[%swap3A_485] {strides = array<i32>} : memref<128xi32, #tpu.memory_space<vmem>>, vector<16xi32>,
    tpu.vector_store %arg14[%swap3A_485], %add3A_484 {strides = array<i32>} : memref<128xi32, #tpu.memory_space<vmem>>, vector<16xi32>,
    %add3A_487 = arith.constant 15 : i32
    %add3A_488 = vector.broadcast %add3A_487 : i32 to vector<16xi32>
    %add3A_489 = arith.addi %select_n3A_411, %add3A_488 : vector<16xi32>
    %swap3A_490 = arith.constant 112 : index
    %swap3A_491 = tpu.vector_load %arg14[%swap3A_490] {strides = array<i32>} : memref<128xi32, #tpu.memory_space<vmem>>, vector<16xi32>,
    tpu.vector_store %arg14[%swap3A_490], %add3A_489 {strides = array<i32>} : memref<128xi32, #tpu.memory_space<vmem>>, vector<16xi32>,
    %dma_start3A_492 = arith.constant 0 : i32
    %dma_start3A_493 = arith.constant 0 : i32
    %dma_start3A_494 = tpu.memref_slice %arg5[%dma_start3A_492, %dma_start3A_493] : memref<16384x128xf32, #tpu.memory_space<hbm>> -> memref<16384x128xf32, #tpu.memory_space<hbm>>
    tpu.enqueue_indirect_dma source(%arg16 : memref<128x128xf32, #tpu.memory_space<vmem>>) target(%dma_start3A_494 : memref<16384x128xf32, #tpu.memory_space<hbm>>) offsets(%arg13 : memref<128xi32, #tpu.memory_space<vmem>>) semaphore(%arg17 : memref<!tpu.dma_semaphore, #tpu.memory_space<semaphore_mem>>)
    %dma_start3A_495 = arith.constant 0 : i32
    %dma_start3A_496 = arith.constant 0 : i32
    %dma_start3A_497 = tpu.memref_slice %arg5[%dma_start3A_495, %dma_start3A_496] : memref<16384x128xf32, #tpu.memory_space<hbm>> -> memref<16384x128xf32, #tpu.memory_space<hbm>>
    tpu.enqueue_indirect_dma source(%arg16 : memref<128x128xf32, #tpu.memory_space<vmem>>) target(%dma_start3A_497 : memref<16384x128xf32, #tpu.memory_space<hbm>>) offsets(%arg14 : memref<128xi32, #tpu.memory_space<vmem>>) semaphore(%arg17 : memref<!tpu.dma_semaphore, #tpu.memory_space<semaphore_mem>>)
    %broadcast_in_dim3A_498 = arith.constant 529 : i32
    %broadcast_in_dim3A_499 = vector.broadcast %broadcast_in_dim3A_498 : i32 to vector<16xi32>
    %gather3A_500 = tpu.vector_load_idx %arg6[%broadcast_in_dim3A_499] : memref<544xi32, #tpu.memory_space<vmem>>[vector<16xi32>], vector<16xi32>,
    %add3A_501 = arith.constant 0 : i32
    %add3A_502 = vector.broadcast %add3A_501 : i32 to vector<16xi32>
    %add3A_503 = arith.addi %add3A_101, %add3A_502 : vector<16xi32>
    %add3A_504 = arith.constant 0 : i32
    %add3A_505 = vector.broadcast %add3A_504 : i32 to vector<16xi32>
    %add3A_506 = arith.addi %add3A_94, %add3A_505 : vector<16xi32>
    %add3A_507 = arith.addi %add3A_506, %gather3A_500 : vector<16xi32>
    %swap3A_508 = arith.constant 0 : index
    %swap3A_509 = tpu.vector_load %arg9[%swap3A_508] {strides = array<i32>} : memref<128xi32, #tpu.memory_space<vmem>>, vector<16xi32>,
    tpu.vector_store %arg9[%swap3A_508], %add3A_503 {strides = array<i32>} : memref<128xi32, #tpu.memory_space<vmem>>, vector<16xi32>,
    %swap3A_510 = arith.constant 0 : index
    %swap3A_511 = tpu.vector_load %arg7[%swap3A_510] {strides = array<i32>} : memref<128xi32, #tpu.memory_space<vmem>>, vector<16xi32>,
    tpu.vector_store %arg7[%swap3A_510], %add3A_507 {strides = array<i32>} : memref<128xi32, #tpu.memory_space<vmem>>, vector<16xi32>,
    %broadcast_in_dim3A_512 = arith.constant 530 : i32
    %broadcast_in_dim3A_513 = vector.broadcast %broadcast_in_dim3A_512 : i32 to vector<16xi32>
    %gather3A_514 = tpu.vector_load_idx %arg6[%broadcast_in_dim3A_513] : memref<544xi32, #tpu.memory_space<vmem>>[vector<16xi32>], vector<16xi32>,
    %add3A_515 = arith.constant 1 : i32
    %add3A_516 = vector.broadcast %add3A_515 : i32 to vector<16xi32>
    %add3A_517 = arith.addi %add3A_101, %add3A_516 : vector<16xi32>
    %add3A_518 = arith.constant 0 : i32
    %add3A_519 = vector.broadcast %add3A_518 : i32 to vector<16xi32>
    %add3A_520 = arith.addi %add3A_94, %add3A_519 : vector<16xi32>
    %add3A_521 = arith.addi %add3A_520, %gather3A_514 : vector<16xi32>
    %swap3A_522 = arith.constant 16 : index
    %swap3A_523 = tpu.vector_load %arg9[%swap3A_522] {strides = array<i32>} : memref<128xi32, #tpu.memory_space<vmem>>, vector<16xi32>,
    tpu.vector_store %arg9[%swap3A_522], %add3A_517 {strides = array<i32>} : memref<128xi32, #tpu.memory_space<vmem>>, vector<16xi32>,
    %swap3A_524 = arith.constant 16 : index
    %swap3A_525 = tpu.vector_load %arg7[%swap3A_524] {strides = array<i32>} : memref<128xi32, #tpu.memory_space<vmem>>, vector<16xi32>,
    tpu.vector_store %arg7[%swap3A_524], %add3A_521 {strides = array<i32>} : memref<128xi32, #tpu.memory_space<vmem>>, vector<16xi32>,
    %broadcast_in_dim3A_526 = arith.constant 531 : i32
    %broadcast_in_dim3A_527 = vector.broadcast %broadcast_in_dim3A_526 : i32 to vector<16xi32>
    %gather3A_528 = tpu.vector_load_idx %arg6[%broadcast_in_dim3A_527] : memref<544xi32, #tpu.memory_space<vmem>>[vector<16xi32>], vector<16xi32>,
    %add3A_529 = arith.constant 2 : i32
    %add3A_530 = vector.broadcast %add3A_529 : i32 to vector<16xi32>
    %add3A_531 = arith.addi %add3A_101, %add3A_530 : vector<16xi32>
    %add3A_532 = arith.constant 0 : i32
    %add3A_533 = vector.broadcast %add3A_532 : i32 to vector<16xi32>
    %add3A_534 = arith.addi %add3A_94, %add3A_533 : vector<16xi32>
    %add3A_535 = arith.addi %add3A_534, %gather3A_528 : vector<16xi32>
    %swap3A_536 = arith.constant 32 : index
    %swap3A_537 = tpu.vector_load %arg9[%swap3A_536] {strides = array<i32>} : memref<128xi32, #tpu.memory_space<vmem>>, vector<16xi32>,
    tpu.vector_store %arg9[%swap3A_536], %add3A_531 {strides = array<i32>} : memref<128xi32, #tpu.memory_space<vmem>>, vector<16xi32>,
    %swap3A_538 = arith.constant 32 : index
    %swap3A_539 = tpu.vector_load %arg7[%swap3A_538] {strides = array<i32>} : memref<128xi32, #tpu.memory_space<vmem>>, vector<16xi32>,
    tpu.vector_store %arg7[%swap3A_538], %add3A_535 {strides = array<i32>} : memref<128xi32, #tpu.memory_space<vmem>>, vector<16xi32>,
    %broadcast_in_dim3A_540 = arith.constant 532 : i32
    %broadcast_in_dim3A_541 = vector.broadcast %broadcast_in_dim3A_540 : i32 to vector<16xi32>
    %gather3A_542 = tpu.vector_load_idx %arg6[%broadcast_in_dim3A_541] : memref<544xi32, #tpu.memory_space<vmem>>[vector<16xi32>], vector<16xi32>,
    %add3A_543 = arith.constant 3 : i32
    %add3A_544 = vector.broadcast %add3A_543 : i32 to vector<16xi32>
    %add3A_545 = arith.addi %add3A_101, %add3A_544 : vector<16xi32>
    %add3A_546 = arith.constant 0 : i32
    %add3A_547 = vector.broadcast %add3A_546 : i32 to vector<16xi32>
    %add3A_548 = arith.addi %add3A_94, %add3A_547 : vector<16xi32>
    %add3A_549 = arith.addi %add3A_548, %gather3A_542 : vector<16xi32>
    %swap3A_550 = arith.constant 48 : index
    %swap3A_551 = tpu.vector_load %arg9[%swap3A_550] {strides = array<i32>} : memref<128xi32, #tpu.memory_space<vmem>>, vector<16xi32>,
    tpu.vector_store %arg9[%swap3A_550], %add3A_545 {strides = array<i32>} : memref<128xi32, #tpu.memory_space<vmem>>, vector<16xi32>,
    %swap3A_552 = arith.constant 48 : index
    %swap3A_553 = tpu.vector_load %arg7[%swap3A_552] {strides = array<i32>} : memref<128xi32, #tpu.memory_space<vmem>>, vector<16xi32>,
    tpu.vector_store %arg7[%swap3A_552], %add3A_549 {strides = array<i32>} : memref<128xi32, #tpu.memory_space<vmem>>, vector<16xi32>,
    %broadcast_in_dim3A_554 = arith.constant 529 : i32
    %broadcast_in_dim3A_555 = vector.broadcast %broadcast_in_dim3A_554 : i32 to vector<16xi32>
    %gather3A_556 = tpu.vector_load_idx %arg6[%broadcast_in_dim3A_555] : memref<544xi32, #tpu.memory_space<vmem>>[vector<16xi32>], vector<16xi32>,
    %add3A_557 = arith.constant 4 : i32
    %add3A_558 = vector.broadcast %add3A_557 : i32 to vector<16xi32>
    %add3A_559 = arith.addi %add3A_101, %add3A_558 : vector<16xi32>
    %add3A_560 = arith.constant 8 : i32
    %add3A_561 = vector.broadcast %add3A_560 : i32 to vector<16xi32>
    %add3A_562 = arith.addi %add3A_94, %add3A_561 : vector<16xi32>
    %add3A_563 = arith.addi %add3A_562, %gather3A_556 : vector<16xi32>
    %swap3A_564 = arith.constant 64 : index
    %swap3A_565 = tpu.vector_load %arg9[%swap3A_564] {strides = array<i32>} : memref<128xi32, #tpu.memory_space<vmem>>, vector<16xi32>,
    tpu.vector_store %arg9[%swap3A_564], %add3A_559 {strides = array<i32>} : memref<128xi32, #tpu.memory_space<vmem>>, vector<16xi32>,
    %swap3A_566 = arith.constant 64 : index
    %swap3A_567 = tpu.vector_load %arg7[%swap3A_566] {strides = array<i32>} : memref<128xi32, #tpu.memory_space<vmem>>, vector<16xi32>,
    tpu.vector_store %arg7[%swap3A_566], %add3A_563 {strides = array<i32>} : memref<128xi32, #tpu.memory_space<vmem>>, vector<16xi32>,
    %broadcast_in_dim3A_568 = arith.constant 530 : i32
    %broadcast_in_dim3A_569 = vector.broadcast %broadcast_in_dim3A_568 : i32 to vector<16xi32>
    %gather3A_570 = tpu.vector_load_idx %arg6[%broadcast_in_dim3A_569] : memref<544xi32, #tpu.memory_space<vmem>>[vector<16xi32>], vector<16xi32>,
    %add3A_571 = arith.constant 5 : i32
    %add3A_572 = vector.broadcast %add3A_571 : i32 to vector<16xi32>
    %add3A_573 = arith.addi %add3A_101, %add3A_572 : vector<16xi32>
    %add3A_574 = arith.constant 8 : i32
    %add3A_575 = vector.broadcast %add3A_574 : i32 to vector<16xi32>
    %add3A_576 = arith.addi %add3A_94, %add3A_575 : vector<16xi32>
    %add3A_577 = arith.addi %add3A_576, %gather3A_570 : vector<16xi32>
    %swap3A_578 = arith.constant 80 : index
    %swap3A_579 = tpu.vector_load %arg9[%swap3A_578] {strides = array<i32>} : memref<128xi32, #tpu.memory_space<vmem>>, vector<16xi32>,
    tpu.vector_store %arg9[%swap3A_578], %add3A_573 {strides = array<i32>} : memref<128xi32, #tpu.memory_space<vmem>>, vector<16xi32>,
    %swap3A_580 = arith.constant 80 : index
    %swap3A_581 = tpu.vector_load %arg7[%swap3A_580] {strides = array<i32>} : memref<128xi32, #tpu.memory_space<vmem>>, vector<16xi32>,
    tpu.vector_store %arg7[%swap3A_580], %add3A_577 {strides = array<i32>} : memref<128xi32, #tpu.memory_space<vmem>>, vector<16xi32>,
    %broadcast_in_dim3A_582 = arith.constant 531 : i32
    %broadcast_in_dim3A_583 = vector.broadcast %broadcast_in_dim3A_582 : i32 to vector<16xi32>
    %gather3A_584 = tpu.vector_load_idx %arg6[%broadcast_in_dim3A_583] : memref<544xi32, #tpu.memory_space<vmem>>[vector<16xi32>], vector<16xi32>,
    %add3A_585 = arith.constant 6 : i32
    %add3A_586 = vector.broadcast %add3A_585 : i32 to vector<16xi32>
    %add3A_587 = arith.addi %add3A_101, %add3A_586 : vector<16xi32>
    %add3A_588 = arith.constant 8 : i32
    %add3A_589 = vector.broadcast %add3A_588 : i32 to vector<16xi32>
    %add3A_590 = arith.addi %add3A_94, %add3A_589 : vector<16xi32>
    %add3A_591 = arith.addi %add3A_590, %gather3A_584 : vector<16xi32>
    %swap3A_592 = arith.constant 96 : index
    %swap3A_593 = tpu.vector_load %arg9[%swap3A_592] {strides = array<i32>} : memref<128xi32, #tpu.memory_space<vmem>>, vector<16xi32>,
    tpu.vector_store %arg9[%swap3A_592], %add3A_587 {strides = array<i32>} : memref<128xi32, #tpu.memory_space<vmem>>, vector<16xi32>,
    %swap3A_594 = arith.constant 96 : index
    %swap3A_595 = tpu.vector_load %arg7[%swap3A_594] {strides = array<i32>} : memref<128xi32, #tpu.memory_space<vmem>>, vector<16xi32>,
    tpu.vector_store %arg7[%swap3A_594], %add3A_591 {strides = array<i32>} : memref<128xi32, #tpu.memory_space<vmem>>, vector<16xi32>,
    %broadcast_in_dim3A_596 = arith.constant 532 : i32
    %broadcast_in_dim3A_597 = vector.broadcast %broadcast_in_dim3A_596 : i32 to vector<16xi32>
    %gather3A_598 = tpu.vector_load_idx %arg6[%broadcast_in_dim3A_597] : memref<544xi32, #tpu.memory_space<vmem>>[vector<16xi32>], vector<16xi32>,
    %add3A_599 = arith.constant 7 : i32
    %add3A_600 = vector.broadcast %add3A_599 : i32 to vector<16xi32>
    %add3A_601 = arith.addi %add3A_101, %add3A_600 : vector<16xi32>
    %add3A_602 = arith.constant 8 : i32
    %add3A_603 = vector.broadcast %add3A_602 : i32 to vector<16xi32>
    %add3A_604 = arith.addi %add3A_94, %add3A_603 : vector<16xi32>
    %add3A_605 = arith.addi %add3A_604, %gather3A_598 : vector<16xi32>
    %swap3A_606 = arith.constant 112 : index
    %swap3A_607 = tpu.vector_load %arg9[%swap3A_606] {strides = array<i32>} : memref<128xi32, #tpu.memory_space<vmem>>, vector<16xi32>,
    tpu.vector_store %arg9[%swap3A_606], %add3A_601 {strides = array<i32>} : memref<128xi32, #tpu.memory_space<vmem>>, vector<16xi32>,
    %swap3A_608 = arith.constant 112 : index
    %swap3A_609 = tpu.vector_load %arg7[%swap3A_608] {strides = array<i32>} : memref<128xi32, #tpu.memory_space<vmem>>, vector<16xi32>,
    tpu.vector_store %arg7[%swap3A_608], %add3A_605 {strides = array<i32>} : memref<128xi32, #tpu.memory_space<vmem>>, vector<16xi32>,
    %broadcast_in_dim3A_610 = arith.constant 529 : i32
    %broadcast_in_dim3A_611 = vector.broadcast %broadcast_in_dim3A_610 : i32 to vector<16xi32>
    %gather3A_612 = tpu.vector_load_idx %arg6[%broadcast_in_dim3A_611] : memref<544xi32, #tpu.memory_space<vmem>>[vector<16xi32>], vector<16xi32>,
    %add3A_613 = arith.constant 8 : i32
    %add3A_614 = vector.broadcast %add3A_613 : i32 to vector<16xi32>
    %add3A_615 = arith.addi %add3A_101, %add3A_614 : vector<16xi32>
    %add3A_616 = arith.constant 16 : i32
    %add3A_617 = vector.broadcast %add3A_616 : i32 to vector<16xi32>
    %add3A_618 = arith.addi %add3A_94, %add3A_617 : vector<16xi32>
    %add3A_619 = arith.addi %add3A_618, %gather3A_612 : vector<16xi32>
    %swap3A_620 = arith.constant 0 : index
    %swap3A_621 = tpu.vector_load %arg10[%swap3A_620] {strides = array<i32>} : memref<128xi32, #tpu.memory_space<vmem>>, vector<16xi32>,
    tpu.vector_store %arg10[%swap3A_620], %add3A_615 {strides = array<i32>} : memref<128xi32, #tpu.memory_space<vmem>>, vector<16xi32>,
    %swap3A_622 = arith.constant 0 : index
    %swap3A_623 = tpu.vector_load %arg8[%swap3A_622] {strides = array<i32>} : memref<128xi32, #tpu.memory_space<vmem>>, vector<16xi32>,
    tpu.vector_store %arg8[%swap3A_622], %add3A_619 {strides = array<i32>} : memref<128xi32, #tpu.memory_space<vmem>>, vector<16xi32>,
    %broadcast_in_dim3A_624 = arith.constant 530 : i32
    %broadcast_in_dim3A_625 = vector.broadcast %broadcast_in_dim3A_624 : i32 to vector<16xi32>
    %gather3A_626 = tpu.vector_load_idx %arg6[%broadcast_in_dim3A_625] : memref<544xi32, #tpu.memory_space<vmem>>[vector<16xi32>], vector<16xi32>,
    %add3A_627 = arith.constant 9 : i32
    %add3A_628 = vector.broadcast %add3A_627 : i32 to vector<16xi32>
    %add3A_629 = arith.addi %add3A_101, %add3A_628 : vector<16xi32>
    %add3A_630 = arith.constant 16 : i32
    %add3A_631 = vector.broadcast %add3A_630 : i32 to vector<16xi32>
    %add3A_632 = arith.addi %add3A_94, %add3A_631 : vector<16xi32>
    %add3A_633 = arith.addi %add3A_632, %gather3A_626 : vector<16xi32>
    %swap3A_634 = arith.constant 16 : index
    %swap3A_635 = tpu.vector_load %arg10[%swap3A_634] {strides = array<i32>} : memref<128xi32, #tpu.memory_space<vmem>>, vector<16xi32>,
    tpu.vector_store %arg10[%swap3A_634], %add3A_629 {strides = array<i32>} : memref<128xi32, #tpu.memory_space<vmem>>, vector<16xi32>,
    %swap3A_636 = arith.constant 16 : index
    %swap3A_637 = tpu.vector_load %arg8[%swap3A_636] {strides = array<i32>} : memref<128xi32, #tpu.memory_space<vmem>>, vector<16xi32>,
    tpu.vector_store %arg8[%swap3A_636], %add3A_633 {strides = array<i32>} : memref<128xi32, #tpu.memory_space<vmem>>, vector<16xi32>,
    %broadcast_in_dim3A_638 = arith.constant 531 : i32
    %broadcast_in_dim3A_639 = vector.broadcast %broadcast_in_dim3A_638 : i32 to vector<16xi32>
    %gather3A_640 = tpu.vector_load_idx %arg6[%broadcast_in_dim3A_639] : memref<544xi32, #tpu.memory_space<vmem>>[vector<16xi32>], vector<16xi32>,
    %add3A_641 = arith.constant 10 : i32
    %add3A_642 = vector.broadcast %add3A_641 : i32 to vector<16xi32>
    %add3A_643 = arith.addi %add3A_101, %add3A_642 : vector<16xi32>
    %add3A_644 = arith.constant 16 : i32
    %add3A_645 = vector.broadcast %add3A_644 : i32 to vector<16xi32>
    %add3A_646 = arith.addi %add3A_94, %add3A_645 : vector<16xi32>
    %add3A_647 = arith.addi %add3A_646, %gather3A_640 : vector<16xi32>
    %swap3A_648 = arith.constant 32 : index
    %swap3A_649 = tpu.vector_load %arg10[%swap3A_648] {strides = array<i32>} : memref<128xi32, #tpu.memory_space<vmem>>, vector<16xi32>,
    tpu.vector_store %arg10[%swap3A_648], %add3A_643 {strides = array<i32>} : memref<128xi32, #tpu.memory_space<vmem>>, vector<16xi32>,
    %swap3A_650 = arith.constant 32 : index
    %swap3A_651 = tpu.vector_load %arg8[%swap3A_650] {strides = array<i32>} : memref<128xi32, #tpu.memory_space<vmem>>, vector<16xi32>,
    tpu.vector_store %arg8[%swap3A_650], %add3A_647 {strides = array<i32>} : memref<128xi32, #tpu.memory_space<vmem>>, vector<16xi32>,
    %broadcast_in_dim3A_652 = arith.constant 532 : i32
    %broadcast_in_dim3A_653 = vector.broadcast %broadcast_in_dim3A_652 : i32 to vector<16xi32>
    %gather3A_654 = tpu.vector_load_idx %arg6[%broadcast_in_dim3A_653] : memref<544xi32, #tpu.memory_space<vmem>>[vector<16xi32>], vector<16xi32>,
    %add3A_655 = arith.constant 11 : i32
    %add3A_656 = vector.broadcast %add3A_655 : i32 to vector<16xi32>
    %add3A_657 = arith.addi %add3A_101, %add3A_656 : vector<16xi32>
    %add3A_658 = arith.constant 16 : i32
    %add3A_659 = vector.broadcast %add3A_658 : i32 to vector<16xi32>
    %add3A_660 = arith.addi %add3A_94, %add3A_659 : vector<16xi32>
    %add3A_661 = arith.addi %add3A_660, %gather3A_654 : vector<16xi32>
    %swap3A_662 = arith.constant 48 : index
    %swap3A_663 = tpu.vector_load %arg10[%swap3A_662] {strides = array<i32>} : memref<128xi32, #tpu.memory_space<vmem>>, vector<16xi32>,
    tpu.vector_store %arg10[%swap3A_662], %add3A_657 {strides = array<i32>} : memref<128xi32, #tpu.memory_space<vmem>>, vector<16xi32>,
    %swap3A_664 = arith.constant 48 : index
    %swap3A_665 = tpu.vector_load %arg8[%swap3A_664] {strides = array<i32>} : memref<128xi32, #tpu.memory_space<vmem>>, vector<16xi32>,
    tpu.vector_store %arg8[%swap3A_664], %add3A_661 {strides = array<i32>} : memref<128xi32, #tpu.memory_space<vmem>>, vector<16xi32>,
    %broadcast_in_dim3A_666 = arith.constant 529 : i32
    %broadcast_in_dim3A_667 = vector.broadcast %broadcast_in_dim3A_666 : i32 to vector<16xi32>
    %gather3A_668 = tpu.vector_load_idx %arg6[%broadcast_in_dim3A_667] : memref<544xi32, #tpu.memory_space<vmem>>[vector<16xi32>], vector<16xi32>,
    %add3A_669 = arith.constant 12 : i32
    %add3A_670 = vector.broadcast %add3A_669 : i32 to vector<16xi32>
    %add3A_671 = arith.addi %add3A_101, %add3A_670 : vector<16xi32>
    %add3A_672 = arith.constant 24 : i32
    %add3A_673 = vector.broadcast %add3A_672 : i32 to vector<16xi32>
    %add3A_674 = arith.addi %add3A_94, %add3A_673 : vector<16xi32>
    %add3A_675 = arith.addi %add3A_674, %gather3A_668 : vector<16xi32>
    %swap3A_676 = arith.constant 64 : index
    %swap3A_677 = tpu.vector_load %arg10[%swap3A_676] {strides = array<i32>} : memref<128xi32, #tpu.memory_space<vmem>>, vector<16xi32>,
    tpu.vector_store %arg10[%swap3A_676], %add3A_671 {strides = array<i32>} : memref<128xi32, #tpu.memory_space<vmem>>, vector<16xi32>,
    %swap3A_678 = arith.constant 64 : index
    %swap3A_679 = tpu.vector_load %arg8[%swap3A_678] {strides = array<i32>} : memref<128xi32, #tpu.memory_space<vmem>>, vector<16xi32>,
    tpu.vector_store %arg8[%swap3A_678], %add3A_675 {strides = array<i32>} : memref<128xi32, #tpu.memory_space<vmem>>, vector<16xi32>,
    %broadcast_in_dim3A_680 = arith.constant 530 : i32
    %broadcast_in_dim3A_681 = vector.broadcast %broadcast_in_dim3A_680 : i32 to vector<16xi32>
    %gather3A_682 = tpu.vector_load_idx %arg6[%broadcast_in_dim3A_681] : memref<544xi32, #tpu.memory_space<vmem>>[vector<16xi32>], vector<16xi32>,
    %add3A_683 = arith.constant 13 : i32
    %add3A_684 = vector.broadcast %add3A_683 : i32 to vector<16xi32>
    %add3A_685 = arith.addi %add3A_101, %add3A_684 : vector<16xi32>
    %add3A_686 = arith.constant 24 : i32
    %add3A_687 = vector.broadcast %add3A_686 : i32 to vector<16xi32>
    %add3A_688 = arith.addi %add3A_94, %add3A_687 : vector<16xi32>
    %add3A_689 = arith.addi %add3A_688, %gather3A_682 : vector<16xi32>
    %swap3A_690 = arith.constant 80 : index
    %swap3A_691 = tpu.vector_load %arg10[%swap3A_690] {strides = array<i32>} : memref<128xi32, #tpu.memory_space<vmem>>, vector<16xi32>,
    tpu.vector_store %arg10[%swap3A_690], %add3A_685 {strides = array<i32>} : memref<128xi32, #tpu.memory_space<vmem>>, vector<16xi32>,
    %swap3A_692 = arith.constant 80 : index
    %swap3A_693 = tpu.vector_load %arg8[%swap3A_692] {strides = array<i32>} : memref<128xi32, #tpu.memory_space<vmem>>, vector<16xi32>,
    tpu.vector_store %arg8[%swap3A_692], %add3A_689 {strides = array<i32>} : memref<128xi32, #tpu.memory_space<vmem>>, vector<16xi32>,
    %broadcast_in_dim3A_694 = arith.constant 531 : i32
    %broadcast_in_dim3A_695 = vector.broadcast %broadcast_in_dim3A_694 : i32 to vector<16xi32>
    %gather3A_696 = tpu.vector_load_idx %arg6[%broadcast_in_dim3A_695] : memref<544xi32, #tpu.memory_space<vmem>>[vector<16xi32>], vector<16xi32>,
    %add3A_697 = arith.constant 14 : i32
    %add3A_698 = vector.broadcast %add3A_697 : i32 to vector<16xi32>
    %add3A_699 = arith.addi %add3A_101, %add3A_698 : vector<16xi32>
    %add3A_700 = arith.constant 24 : i32
    %add3A_701 = vector.broadcast %add3A_700 : i32 to vector<16xi32>
    %add3A_702 = arith.addi %add3A_94, %add3A_701 : vector<16xi32>
    %add3A_703 = arith.addi %add3A_702, %gather3A_696 : vector<16xi32>
    %swap3A_704 = arith.constant 96 : index
    %swap3A_705 = tpu.vector_load %arg10[%swap3A_704] {strides = array<i32>} : memref<128xi32, #tpu.memory_space<vmem>>, vector<16xi32>,
    tpu.vector_store %arg10[%swap3A_704], %add3A_699 {strides = array<i32>} : memref<128xi32, #tpu.memory_space<vmem>>, vector<16xi32>,
    %swap3A_706 = arith.constant 96 : index
    %swap3A_707 = tpu.vector_load %arg8[%swap3A_706] {strides = array<i32>} : memref<128xi32, #tpu.memory_space<vmem>>, vector<16xi32>,
    tpu.vector_store %arg8[%swap3A_706], %add3A_703 {strides = array<i32>} : memref<128xi32, #tpu.memory_space<vmem>>, vector<16xi32>,
    %broadcast_in_dim3A_708 = arith.constant 532 : i32
    %broadcast_in_dim3A_709 = vector.broadcast %broadcast_in_dim3A_708 : i32 to vector<16xi32>
    %gather3A_710 = tpu.vector_load_idx %arg6[%broadcast_in_dim3A_709] : memref<544xi32, #tpu.memory_space<vmem>>[vector<16xi32>], vector<16xi32>,
    %add3A_711 = arith.constant 15 : i32
    %add3A_712 = vector.broadcast %add3A_711 : i32 to vector<16xi32>
    %add3A_713 = arith.addi %add3A_101, %add3A_712 : vector<16xi32>
    %add3A_714 = arith.constant 24 : i32
    %add3A_715 = vector.broadcast %add3A_714 : i32 to vector<16xi32>
    %add3A_716 = arith.addi %add3A_94, %add3A_715 : vector<16xi32>
    %add3A_717 = arith.addi %add3A_716, %gather3A_710 : vector<16xi32>
    %swap3A_718 = arith.constant 112 : index
    %swap3A_719 = tpu.vector_load %arg10[%swap3A_718] {strides = array<i32>} : memref<128xi32, #tpu.memory_space<vmem>>, vector<16xi32>,
    tpu.vector_store %arg10[%swap3A_718], %add3A_713 {strides = array<i32>} : memref<128xi32, #tpu.memory_space<vmem>>, vector<16xi32>,
    %swap3A_720 = arith.constant 112 : index
    %swap3A_721 = tpu.vector_load %arg8[%swap3A_720] {strides = array<i32>} : memref<128xi32, #tpu.memory_space<vmem>>, vector<16xi32>,
    tpu.vector_store %arg8[%swap3A_720], %add3A_717 {strides = array<i32>} : memref<128xi32, #tpu.memory_space<vmem>>, vector<16xi32>,
    %dma_start3A_722 = arith.constant 0 : i32
    %dma_start3A_723 = arith.constant 0 : i32
    %dma_start3A_724 = tpu.memref_slice %arg15[%dma_start3A_722, %dma_start3A_723] : memref<256x128xf32, #tpu.memory_space<vmem>> -> memref<128x128xf32, #tpu.memory_space<vmem>>
    %dma_start3A_725 = arith.constant 0 : i32
    %dma_start3A_726 = arith.constant 0 : i32
    %dma_start3A_727 = tpu.memref_slice %arg2[%dma_start3A_725, %dma_start3A_726] : memref<16384x128xf32, #tpu.memory_space<hbm>> -> memref<16384x128xf32, #tpu.memory_space<hbm>>
    tpu.enqueue_indirect_dma source(%dma_start3A_727 : memref<16384x128xf32, #tpu.memory_space<hbm>>) target(%dma_start3A_724 : memref<128x128xf32, #tpu.memory_space<vmem>>) offsets(%arg7 : memref<128xi32, #tpu.memory_space<vmem>>) semaphore(%arg17 : memref<!tpu.dma_semaphore, #tpu.memory_space<semaphore_mem>>)
    %dma_start3A_728 = arith.constant 128 : i32
    %dma_start3A_729 = arith.constant 0 : i32
    %dma_start3A_730 = tpu.memref_slice %arg15[%dma_start3A_728, %dma_start3A_729] : memref<256x128xf32, #tpu.memory_space<vmem>> -> memref<128x128xf32, #tpu.memory_space<vmem>>
    %dma_start3A_731 = arith.constant 0 : i32
    %dma_start3A_732 = arith.constant 0 : i32
    %dma_start3A_733 = tpu.memref_slice %arg2[%dma_start3A_731, %dma_start3A_732] : memref<16384x128xf32, #tpu.memory_space<hbm>> -> memref<16384x128xf32, #tpu.memory_space<hbm>>
    tpu.enqueue_indirect_dma source(%dma_start3A_733 : memref<16384x128xf32, #tpu.memory_space<hbm>>) target(%dma_start3A_730 : memref<128x128xf32, #tpu.memory_space<vmem>>) offsets(%arg8 : memref<128xi32, #tpu.memory_space<vmem>>) semaphore(%arg17 : memref<!tpu.dma_semaphore, #tpu.memory_space<semaphore_mem>>)
    %dma_wait3A = arith.constant 0 : i32
    %dma_wait3A_734 = arith.constant 0 : i32
    %dma_wait3A_735 = tpu.memref_slice %arg5[%dma_wait3A, %dma_wait3A_734] : memref<16384x128xf32, #tpu.memory_space<hbm>> -> memref<16384x128xf32, #tpu.memory_space<hbm>>
    tpu.wait_indirect_dma semaphore(%arg17 : memref<!tpu.dma_semaphore, #tpu.memory_space<semaphore_mem>>) src(%arg16 : memref<128x128xf32, #tpu.memory_space<vmem>>) dst(%dma_wait3A_735 : memref<16384x128xf32, #tpu.memory_space<hbm>>)
    %dma_wait3A_736 = arith.constant 0 : i32
    %dma_wait3A_737 = arith.constant 0 : i32
    %dma_wait3A_738 = tpu.memref_slice %arg5[%dma_wait3A_736, %dma_wait3A_737] : memref<16384x128xf32, #tpu.memory_space<hbm>> -> memref<16384x128xf32, #tpu.memory_space<hbm>>
    tpu.wait_indirect_dma semaphore(%arg17 : memref<!tpu.dma_semaphore, #tpu.memory_space<semaphore_mem>>) src(%arg16 : memref<128x128xf32, #tpu.memory_space<vmem>>) dst(%dma_wait3A_738 : memref<16384x128xf32, #tpu.memory_space<hbm>>)
    %dma_wait3A_739 = arith.constant 0 : i32
    %dma_wait3A_740 = arith.constant 0 : i32
    %dma_wait3A_741 = tpu.memref_slice %arg5[%dma_wait3A_739, %dma_wait3A_740] : memref<16384x128xf32, #tpu.memory_space<hbm>> -> memref<16384x128xf32, #tpu.memory_space<hbm>>
    tpu.wait_indirect_dma semaphore(%arg17 : memref<!tpu.dma_semaphore, #tpu.memory_space<semaphore_mem>>) src(%arg16 : memref<128x128xf32, #tpu.memory_space<vmem>>) dst(%dma_wait3A_741 : memref<16384x128xf32, #tpu.memory_space<hbm>>)
    %dma_wait3A_742 = arith.constant 0 : i32
    %dma_wait3A_743 = arith.constant 0 : i32
    %dma_wait3A_744 = tpu.memref_slice %arg5[%dma_wait3A_742, %dma_wait3A_743] : memref<16384x128xf32, #tpu.memory_space<hbm>> -> memref<16384x128xf32, #tpu.memory_space<hbm>>
    tpu.wait_indirect_dma semaphore(%arg17 : memref<!tpu.dma_semaphore, #tpu.memory_space<semaphore_mem>>) src(%arg16 : memref<128x128xf32, #tpu.memory_space<vmem>>) dst(%dma_wait3A_744 : memref<16384x128xf32, #tpu.memory_space<hbm>>)
    %dma_wait3A_745 = arith.constant 0 : i32
    %dma_wait3A_746 = arith.constant 0 : i32
    %dma_wait3A_747 = tpu.memref_slice %arg15[%dma_wait3A_745, %dma_wait3A_746] : memref<256x128xf32, #tpu.memory_space<vmem>> -> memref<128x128xf32, #tpu.memory_space<vmem>>
    %dma_wait3A_748 = arith.constant 0 : i32
    %dma_wait3A_749 = arith.constant 0 : i32
    %dma_wait3A_750 = tpu.memref_slice %arg2[%dma_wait3A_748, %dma_wait3A_749] : memref<16384x128xf32, #tpu.memory_space<hbm>> -> memref<16384x128xf32, #tpu.memory_space<hbm>>
    tpu.wait_indirect_dma semaphore(%arg17 : memref<!tpu.dma_semaphore, #tpu.memory_space<semaphore_mem>>) src(%dma_wait3A_750 : memref<16384x128xf32, #tpu.memory_space<hbm>>) dst(%dma_wait3A_747 : memref<128x128xf32, #tpu.memory_space<vmem>>)
    %dma_wait3A_751 = arith.constant 128 : i32
    %dma_wait3A_752 = arith.constant 0 : i32
    %dma_wait3A_753 = tpu.memref_slice %arg15[%dma_wait3A_751, %dma_wait3A_752] : memref<256x128xf32, #tpu.memory_space<vmem>> -> memref<128x128xf32, #tpu.memory_space<vmem>>
    %dma_wait3A_754 = arith.constant 0 : i32
    %dma_wait3A_755 = arith.constant 0 : i32
    %dma_wait3A_756 = tpu.memref_slice %arg2[%dma_wait3A_754, %dma_wait3A_755] : memref<16384x128xf32, #tpu.memory_space<hbm>> -> memref<16384x128xf32, #tpu.memory_space<hbm>>
    tpu.wait_indirect_dma semaphore(%arg17 : memref<!tpu.dma_semaphore, #tpu.memory_space<semaphore_mem>>) src(%dma_wait3A_756 : memref<16384x128xf32, #tpu.memory_space<hbm>>) dst(%dma_wait3A_753 : memref<128x128xf32, #tpu.memory_space<vmem>>)
    %dma_start3A_757 = arith.constant 0 : i32
    %dma_start3A_758 = arith.constant 0 : i32
    %dma_start3A_759 = tpu.memref_slice %arg15[%dma_start3A_757, %dma_start3A_758] : memref<256x128xf32, #tpu.memory_space<vmem>> -> memref<128x128xf32, #tpu.memory_space<vmem>>
    %dma_start3A_760 = arith.constant 0 : i32
    %dma_start3A_761 = arith.constant 0 : i32
    %dma_start3A_762 = tpu.memref_slice %arg5[%dma_start3A_760, %dma_start3A_761] : memref<16384x128xf32, #tpu.memory_space<hbm>> -> memref<16384x128xf32, #tpu.memory_space<hbm>>
    tpu.enqueue_indirect_dma source(%dma_start3A_759 : memref<128x128xf32, #tpu.memory_space<vmem>>) target(%dma_start3A_762 : memref<16384x128xf32, #tpu.memory_space<hbm>>) offsets(%arg9 : memref<128xi32, #tpu.memory_space<vmem>>) semaphore(%arg17 : memref<!tpu.dma_semaphore, #tpu.memory_space<semaphore_mem>>)
    %dma_start3A_763 = arith.constant 128 : i32
    %dma_start3A_764 = arith.constant 0 : i32
    %dma_start3A_765 = tpu.memref_slice %arg15[%dma_start3A_763, %dma_start3A_764] : memref<256x128xf32, #tpu.memory_space<vmem>> -> memref<128x128xf32, #tpu.memory_space<vmem>>
    %dma_start3A_766 = arith.constant 0 : i32
    %dma_start3A_767 = arith.constant 0 : i32
    %dma_start3A_768 = tpu.memref_slice %arg5[%dma_start3A_766, %dma_start3A_767] : memref<16384x128xf32, #tpu.memory_space<hbm>> -> memref<16384x128xf32, #tpu.memory_space<hbm>>
    tpu.enqueue_indirect_dma source(%dma_start3A_765 : memref<128x128xf32, #tpu.memory_space<vmem>>) target(%dma_start3A_768 : memref<16384x128xf32, #tpu.memory_space<hbm>>) offsets(%arg10 : memref<128xi32, #tpu.memory_space<vmem>>) semaphore(%arg17 : memref<!tpu.dma_semaphore, #tpu.memory_space<semaphore_mem>>)
    %dma_wait3A_769 = arith.constant 0 : i32
    %dma_wait3A_770 = arith.constant 0 : i32
    %dma_wait3A_771 = tpu.memref_slice %arg15[%dma_wait3A_769, %dma_wait3A_770] : memref<256x128xf32, #tpu.memory_space<vmem>> -> memref<128x128xf32, #tpu.memory_space<vmem>>
    %dma_wait3A_772 = arith.constant 0 : i32
    %dma_wait3A_773 = arith.constant 0 : i32
    %dma_wait3A_774 = tpu.memref_slice %arg5[%dma_wait3A_772, %dma_wait3A_773] : memref<16384x128xf32, #tpu.memory_space<hbm>> -> memref<16384x128xf32, #tpu.memory_space<hbm>>
    tpu.wait_indirect_dma semaphore(%arg17 : memref<!tpu.dma_semaphore, #tpu.memory_space<semaphore_mem>>) src(%dma_wait3A_771 : memref<128x128xf32, #tpu.memory_space<vmem>>) dst(%dma_wait3A_774 : memref<16384x128xf32, #tpu.memory_space<hbm>>)
    %dma_wait3A_775 = arith.constant 128 : i32
    %dma_wait3A_776 = arith.constant 0 : i32
    %dma_wait3A_777 = tpu.memref_slice %arg15[%dma_wait3A_775, %dma_wait3A_776] : memref<256x128xf32, #tpu.memory_space<vmem>> -> memref<128x128xf32, #tpu.memory_space<vmem>>
    %dma_wait3A_778 = arith.constant 0 : i32
    %dma_wait3A_779 = arith.constant 0 : i32
    %dma_wait3A_780 = tpu.memref_slice %arg5[%dma_wait3A_778, %dma_wait3A_779] : memref<16384x128xf32, #tpu.memory_space<hbm>> -> memref<16384x128xf32, #tpu.memory_space<hbm>>
    tpu.wait_indirect_dma semaphore(%arg17 : memref<!tpu.dma_semaphore, #tpu.memory_space<semaphore_mem>>) src(%dma_wait3A_777 : memref<128x128xf32, #tpu.memory_space<vmem>>) dst(%dma_wait3A_780 : memref<16384x128xf32, #tpu.memory_space<hbm>>)
    return
  }
}

module attributes {stable_mosaic.version = 14 : i64} {
  func.func @_pool_body(%arg0: i32, %arg1: memref<2048x8x128xf32, #tpu.memory_space<vmem>>, %arg2: memref<2x128x8x128xf32, #tpu.memory_space<vmem>>) attributes {dimension_semantics = [#tpu.dimension_semantics<arbitrary>], iteration_bounds = array<i64: 8>, scalar_prefetch = 0 : i64, scratch_operands = 0 : i64, tpu.core_type = #tpu.core_type<tc>, window_params = [{transform_indices = @transform_0, window_bounds = array<i64: 2048, 8, 128>}, {transform_indices = @transform_1, window_bounds = array<i64: 2, 128, 8, 128>}]} {
    %get3A = arith.constant 0 : index
    %get3A_0 = arith.constant 0 : index
    %get3A_1 = arith.constant 0 : index
    %get3A_2 = vector.load %arg1[%get3A, %get3A_0, %get3A_1] : memref<2048x8x128xf32, #tpu.memory_space<vmem>>, vector<2048x8x128xf32>
    %reshape3A = vector.shape_cast %get3A_2 : vector<2048x8x128xf32> to vector<128x16x8x128xf32>
    %reduce_min3A = arith.constant dense<0x7F800000> : vector<128x8x128xf32>
    %reduce_min3A_3 = vector.multi_reduction <minimumf>, %reshape3A, %reduce_min3A [1] : vector<128x16x8x128xf32> to vector<128x8x128xf32>
    %swap3A = arith.constant 0 : index
    %swap3A_4 = arith.constant 0 : index
    %swap3A_5 = arith.constant 0 : index
    %swap3A_6 = arith.constant 0 : index
    %swap3A_7 = vector.load %arg2[%swap3A, %swap3A_4, %swap3A_5, %swap3A_6] : memref<2x128x8x128xf32, #tpu.memory_space<vmem>>, vector<1x128x8x128xf32>
    %swap3A_8 = vector.shape_cast %swap3A_7 : vector<1x128x8x128xf32> to vector<128x8x128xf32>
    %swap3A_9 = vector.shape_cast %reduce_min3A_3 : vector<128x8x128xf32> to vector<1x128x8x128xf32>
    tpu.vector_store %arg2[%swap3A, %swap3A_4, %swap3A_5, %swap3A_6], %swap3A_9 {strides = array<i32>} : memref<2x128x8x128xf32, #tpu.memory_space<vmem>>, vector<1x128x8x128xf32>,
    %reduce_max3A = arith.constant dense<0xFF800000> : vector<128x8x128xf32>
    %reduce_max3A_10 = vector.multi_reduction <maximumf>, %reshape3A, %reduce_max3A [1] : vector<128x16x8x128xf32> to vector<128x8x128xf32>
    %swap3A_11 = arith.constant 1 : index
    %swap3A_12 = arith.constant 0 : index
    %swap3A_13 = arith.constant 0 : index
    %swap3A_14 = arith.constant 0 : index
    %swap3A_15 = vector.load %arg2[%swap3A_11, %swap3A_12, %swap3A_13, %swap3A_14] : memref<2x128x8x128xf32, #tpu.memory_space<vmem>>, vector<1x128x8x128xf32>
    %swap3A_16 = vector.shape_cast %swap3A_15 : vector<1x128x8x128xf32> to vector<128x8x128xf32>
    %swap3A_17 = vector.shape_cast %reduce_max3A_10 : vector<128x8x128xf32> to vector<1x128x8x128xf32>
    tpu.vector_store %arg2[%swap3A_11, %swap3A_12, %swap3A_13, %swap3A_14], %swap3A_17 {strides = array<i32>} : memref<2x128x8x128xf32, #tpu.memory_space<vmem>>, vector<1x128x8x128xf32>,
    return
  }
  func.func @transform_0(%arg0: i32) -> (i32, i32, i32) {
    %c0_i32 = arith.constant 0 : i32
    %c0_i32_0 = arith.constant 0 : i32
    %c0_i32_1 = arith.constant 0 : i32
    return %arg0, %c0_i32, %c0_i32_0 : i32, i32, i32
  }
  func.func @transform_1(%arg0: i32) -> (i32, i32, i32, i32) {
    %c0_i32 = arith.constant 0 : i32
    %c0_i32_0 = arith.constant 0 : i32
    %c0_i32_1 = arith.constant 0 : i32
    %c0_i32_2 = arith.constant 0 : i32
    return %c0_i32, %arg0, %c0_i32_0, %c0_i32_1 : i32, i32, i32, i32
  }
}

</mosaic_0001>

<sc_bundles>
// kernel: kernel.4.cloned.1.call-start
scs
__scs_entry_jumppad:
0x0: {  	(pc) =	sbr.rel $0x88, $3  }
0x1: {  	(tag) =	ssettag $0x0;
	lr =	simm.s32 $0x1  }
0x2: {  	[smem:$0x3F9D] =	sst lr;
	_ =	strace $0xD0000000  }
0x3: {  	_ = 	snop  }
0x4: {  	_ = 	snop  }
0x5: {  	_ = 	snop  }
0x6: {  	_ = 	snop  }
0x7: {  	_ = 	snop  }
__scs_overlays_trampoline_lowered:
0x8: {  	[smem:$0x3FAC] =	sst s0  }
0x9: {  	[smem:$0x3FAD] =	sst s1  }
0xa: {  	[smem:$0x3FAE] =	sst s2  }
0xb: {  	[smem:$0x3FAF] =	sst s3  }
0xc: {  	[smem:$0x3FB0] =	sst s4  }
0xd: {  	[smem:$0x3FB1] =	sst s5  }
0xe: {  	[smem:$0x3FB2] =	sst s6  }
0xf: {  	[smem:$0x3FB3] =	sst s7  }
0x10: {  	[smem:$0x3FB4] =	sst s8  }
0x11: {  	[smem:$0x3FB5] =	sst s9;
	s0 =	simm.s32 @!p0 $0x0  }
0x12: {  	s1 =	sld [smem:$0x3F9B];
	s0 =	simm.s32 @p0 $0x1  }
0x13: {  	[smem:$0x3FB6] =	sst s0;
	s0 =	simm.s32 @!p1 $0x0  }
0x14: {  	s2 =	sld [smem:$0x3F9A];
	s0 =	simm.s32 @p1 $0x1  }
0x15: {  	[smem:$0x3FB7] =	sst s0;
	s0 =	simm.s32 @!p2 $0x0  }
0x16: {  	s3 =	sld [smem:$0x3FDB];
	s0 =	simm.s32 @p2 $0x1  }
0x17: {  	s4 =	simm.s32 $0x1BF5;
	[smem:$0x3FB9] =	sst s0  }
0x18: {  	s0 =	sld [smem:$0x3F9C];
	_ =	swait.ge [sflag:s4], $0x0  }
0x19: {  	s7 =	sld [smem:$0x3F9D]  }
0x1a: {  	s8 =	sadd.s32 $0xFFFFE003, lr  }
0x1b: {  	s9 =	sadd.s32 $0xFFFFFEF7, lr;
	s5 =	simm.s32 $0xFFFFFFFF;
	p2 =	slt.u32 s8, $0xFFFFF086  }
0x1c: {  	p1 =	slt.u32 s9, $0xF7A;
	s5 =	simm.s32 @!p2 $0x0  }
0x1d: {  	s5 =	simm.s32 @p1 $0x1;
	p0 =	seq.s32 s7, s2  }
0x1e: {  	s7 =	smul.u32 @!p0 $0xF7A, s2;
	p2 =	seq.s32 @!p0 s5, $0x0  }
0x1f: {  	s9 =	smul.u32 $0xF7A, s1;
	s8 =	simm.s32 @!p0 $0x1BF5;
	p2 =	por !p2, p0  }
0x20: {  	[sflag:s8] =	ssyncset.s32 @!p0 $0xFFFFF086;
	s6 =	sadd.s32 @!p0 s3, s7;
	s7 =	simm.s32 @!p0 $0x108  }
0x21: {  	s3 =	sadd.s32 s3, s9;
	s6 =	sadd.s32 @!p0 $0x88, s6;
	s7 =	simm.s32 @p2 $0x1082  }
0x22: {  	[simem:s7], [sflag:s8] =	dma.local @!p0 [hbm:s6], $0xF7A  }
0x23: {  	s9 =	sor.u32 $0xD0000000, s2;
	s6 =	simm.s32 $0x108;
	_ =	swait.ge @!p0 [sflag:s8], $0x0  }
0x24: {  	s3 =	sadd.s32 $0x88, s3;
	s6 =	simm.s32 @!p1 $0x1082;
	[sflag:s4] =	ssyncset.s32 $0xFFFFF086  }
0x25: {  	[simem:s6], [sflag:s4] =	dma.local [hbm:s3], $0xF7A  }
0x26: {  	[smem:$0x3F9D] =	sst s1;
	(tag) =	ssettag s2;
	_ =	strace s9  }
0x27: {  	s1 =	sld [smem:$0x3FAD]  }
0x28: {  	s2 =	sld [smem:$0x3FAE]  }
0x29: {  	s4 =	sld [smem:$0x3FB0]  }
0x2a: {  	p0 =	seq.s32 s5, $0x0;
	s5 =	sld [smem:$0x3FB1]  }
0x2b: {  	s6 =	sld [smem:$0x3FB2]  }
0x2c: {  	s7 =	sld [smem:$0x3FB3]  }
0x2d: {  	s3 =	simm.s32 $0x108;
	s8 =	sld [smem:$0x3FB4]  }
0x2e: {  	s3 =	simm.s32 @!p0 $0x1082;
	s9 =	sld [smem:$0x3FB5]  }
0x2f: {  	lr =	sadd.s32 s0, s3;
	s0 =	sld [smem:$0x3FAC]  }
0x30: {  	s3 =	sld [smem:$0x3FAF]  }
0x31: {  	[smem:$0x3FB8] =	sst s10  }
0x32: {  	s10 =	sld [smem:$0x3FB6];
	_ =	sdelay $0x3  }
0x33: {  	p0 =	seq.s32 s10, $0x1;
	s10 =	sld [smem:$0x3FB8];
	_ =	sdelay $0x3  }
0x34: {  	[smem:$0x3FB8] =	sst s10  }
0x35: {  	s10 =	sld [smem:$0x3FB7];
	_ =	sdelay $0x3  }
0x36: {  	p1 =	seq.s32 s10, $0x1;
	s10 =	sld [smem:$0x3FB8];
	_ =	sdelay $0x3  }
0x37: {  	[smem:$0x3FB8] =	sst s10  }
0x38: {  	s10 =	sld [smem:$0x3FB9]  }
0x39: {  	_ = 	snop;
	(pc) =	sbr.ind lr, $3  }
0x3a: {  	_ = 	snop  }
0x3b: {  	_ = 	snop  }
0x3c: {  	p2 =	seq.s32 s10, $0x1;
	s10 =	sld [smem:$0x3FB8]  }
0x3d: {  	_ =	shalt  }
0x3e: {  	_ =	shalt  }
0x3f: {  	_ =	shalt  }
0x40: {  	_ =	shalt  }
0x41: {  	_ =	shalt  }
0x42: {  	_ =	shalt  }
0x43: {  	_ =	shalt  }
0x44: {  	_ =	shalt  }
0x45: {  	_ =	shalt  }
0x46: {  	_ =	shalt  }
0x47: {  	_ =	shalt  }
0x48: {  	_ =	shalt  }
0x49: {  	_ =	shalt  }
0x4a: {  	_ =	shalt  }
0x4b: {  	_ =	shalt  }
0x4c: {  	_ =	shalt  }
0x4d: {  	_ =	shalt  }
0x4e: {  	_ =	shalt  }
0x4f: {  	_ =	shalt  }
0x50: {  	_ =	shalt  }
0x51: {  	_ =	shalt  }
0x52: {  	_ =	shalt  }
0x53: {  	_ =	shalt  }
0x54: {  	_ =	shalt  }
0x55: {  	_ =	shalt  }
0x56: {  	_ =	shalt  }
0x57: {  	_ =	shalt  }
0x58: {  	_ =	shalt  }
0x59: {  	_ =	shalt  }
0x5a: {  	_ =	shalt  }
0x5b: {  	_ =	shalt  }
0x5c: {  	_ =	shalt  }
0x5d: {  	_ =	shalt  }
0x5e: {  	_ =	shalt  }
0x5f: {  	_ =	shalt  }
0x60: {  	_ =	shalt  }
0x61: {  	_ =	shalt  }
0x62: {  	_ =	shalt  }
0x63: {  	_ =	shalt  }
0x64: {  	_ =	shalt  }
0x65: {  	_ =	shalt  }
0x66: {  	_ =	shalt  }
0x67: {  	_ =	shalt  }
0x68: {  	_ =	shalt  }
0x69: {  	_ =	shalt  }
0x6a: {  	_ =	shalt  }
0x6b: {  	_ =	shalt  }
0x6c: {  	_ =	shalt  }
0x6d: {  	_ =	shalt  }
0x6e: {  	_ =	shalt  }
0x6f: {  	_ =	shalt  }
0x70: {  	_ =	shalt  }
0x71: {  	_ =	shalt  }
0x72: {  	_ =	shalt  }
0x73: {  	_ =	shalt  }
0x74: {  	_ =	shalt  }
0x75: {  	_ =	shalt  }
0x76: {  	_ =	shalt  }
0x77: {  	_ =	shalt  }
0x78: {  	_ =	shalt  }
0x79: {  	_ =	shalt  }
0x7a: {  	_ =	shalt  }
0x7b: {  	_ =	shalt  }
0x7c: {  	_ =	shalt  }
0x7d: {  	_ =	shalt  }
0x7e: {  	_ =	shalt  }
0x7f: {  	_ =	shalt  }
0x80: {  	_ =	shalt  }
0x81: {  	_ =	shalt  }
0x82: {  	_ =	shalt  }
0x83: {  	_ =	shalt  }
0x84: {  	_ =	shalt  }
0x85: {  	_ =	shalt  }
0x86: {  	_ =	shalt  }
0x87: {  	_ =	shalt  }
.Lfunc_end0:
.L_simem_size_0:
called_computation_lowered:
.L_overlay_start_0:
0x88: {  	s2 =	sld [smem:$0x3FD9]  }
0x89: {  	s3 =	sld [smem:$0x3FFE];
	_ =	sdelay $0x1  }
0x8a: {  	s1 =	srdreg.scid  }
0x8b: {  	s0 =	sand.u32 $0x1, s1  }
0x8c: {  	s17 =	sshll.u32 s0, $0xA;
	s2 =	sadd.s32 s3, s2  }
0x8d: {  	s2 =	sadd.s32 s2, s17  }
0x8e: {  	[smem:$0x3FC4] =	sst s2  }
0x8f: {  	_ = 	snop  }
0x90: {  	s2 =	sld [smem:$0x3FD0];
	(tm) =	ssettm $0x1  }
0x91: {  	s18 =	sld [smem:$0x3FFB];
	_ =	sdelay $0x3  }
0x92: {  	_ =	strace s18  }
0x93: {  	s3 =	sld [smem:$0x3FFC];
	_ =	sdelay $0x3  }
0x94: {  	_ =	strace s3  }
0x95: {  	s3 =	sld [smem:$0x3FFD];
	_ =	sdelay $0x3  }
0x96: {  	_ =	strace s3  }
0x97: {  	_ =	strace $0x8FFFFFFF  }
0x98: {  	s19 =	sld [smem:$0x3FDB];
	_ =	sdelay $0x1  }
0x99: {  	s4 =	simm.s32 $_scs_section_size  }
0x9a: {  	s5 =	simm.s32 $_size__tile_overlayer_lowered;
	s6 =	simm.s32 $_tile_overlayer_lowered  }
0x9b: {  	s22 =	simm.s32 $0x1BFF;
	s21 =	sshll.u32 s6, $0x1;
	s3 =	sadd.s32 s4, s19  }
0x9c: {  	s7 =	simm.s32 $0x0;
	s20 =	sshll.u32 s5, $0x1;
	s5 =	sadd.s32 s21, s3  }
0x9d: {  	[timem:s7], [sflag:s22] =	dma.local [hbm:s5], s20  }
0x9e: {  	_ =	swait.ge [sflag:s22], s20  }
0x9f: {  	s4 =	ssub.s32 $0x0, s20;
	[sflag:s22] =	ssyncset.done $0x0  }
0xa0: {  	[sflag:s22] =	ssyncadd.s32 s4;
	_ =	sdelay $0x1  }
0xa1: {  	s23 =	simm.s32 $0x1B8B  }
0xa2: {  	_ =	swait.ge [sflag:s23], $0x1  }
0xa3: {  	[sflag:s23] =	ssyncset.done $0x0  }
0xa4: {  	s25 =	simm.s32 $0x1B8E;
	s24 =	sld [smem:$0x3FFE];
	[sflag:s23] =	ssyncadd.s32 $0xFFFFFFFF  }
0xa5: {  	s26 =	simm.s32 $execute0_lowered;
	[smem:$0x3FD2] =	sst s25  }
0xa6: {  	s5 =	sshll.u32 s26, $0x1;
	_ =	strace $0x80000046;
	[dreg:$0x1] =	wrdreg $0xFFFFFFFF  }
0xa7: {  	s28 =	simm.s32 $_size_execute0_lowered;
	s3 =	sadd.s32 s3, s5;
	[dreg:$0x0] =	wrdreg $0x0  }
0xa8: {  	s5 =	sshll.u32 s28, $0x1;
	[dreg:$0x2] =	wrdreg s3  }
0xa9: {  	[dreg:$0x3] =	wrdreg s5  }
0xaa: {  	[dreg:$0x4] =	wrdreg $0xC0  }
0xab: {  	_ =	task [dreg:s7], $0x5FFFF  }
0xac: {  	[dreg:$0x1] =	wrdreg $0xFFFFFFFF  }
0xad: {  	[dreg:$0x0] =	wrdreg $0x60  }
0xae: {  	[dreg:$0x2] =	wrdreg s24  }
0xaf: {  	[dreg:$0x3] =	wrdreg s2  }
0xb0: {  	[dreg:$0x4] =	wrdreg $0x9  }
0xb1: {  	_ =	task.clear_ibuf [dreg:s7], $0x5FFFF;
	_ =	strace $0x90000046  }
0xb2: {  	s29 =	simm.s32 $0x9;
	_ =	strace $0x80000048  }
0xb3: {  	_ =	swait.ge [sflag:s29], $0x1  }
0xb4: {  	[sflag:s29] =	ssyncadd.s32 $0xFFFFFFFF  }
0xb5: {  	_ =	strace $0x90000048  }
0xb6: {  	_ =	sfence  }
0xb7: {  	s30 =	sld [smem:$0x0];
	_ =	sdelay $0x2  }
0xb8: {  	s31 =	sshll.u32 s1, $0xD;
	s1 =	sshrl.u32 s1, $0x2  }
0xb9: {  	s3 =	sand.u32 $0x4000, s31;
	s1 =	sadd.s32 s1, s30  }
0xba: {  	s0 =	sor.u32 s3, s0;
	s1 =	sshll.u32 s1, $0x11  }
0xbb: {  	s0 =	sor.u32 s1, s0  }
0xbc: {  	s0 =	sadd.s32 $0x8F2B, s0  }
0xbd: {  	[sflag:s0] =	ssyncadd.remote.s32 $0x1  }
0xbe: {  	_ =	sfence.sel $0xFFFF  }
0xbf: {  	[dreg:$0x0] =	wrdreg $0xFFFFFFFF;
	(pc) =	sbr.abs _section_cstart, $3  }
0xc0: {  	[dreg:$0x1] =	wrdreg $0xFFFFFFFF  }
0xc1: {  	_ =	task.clear_ibuf [dreg:s7], $0x2FFFF;
	_ =	strace $0x9FFFFFFF  }
0xc2: {  	(tm) =	ssettm $0x7FFFFFFF  }
0xc3: {  	_ =	shalt  }
tec
execute0_lowered:
.L_overlay_start_1:
0x0: {  	(tag) =	ssettag $0x1  }
0x1: {  	v4 =	vlaneseq.u32;
	v12 =	vimm.s32 $0x201;
	v13 =	vimm.s32 $0x0  }
0x2: {  	v14 =	vimm.s32 $0x202;
	v15 =	vimm.s32 $0x203;
	v16 =	vimm.s32 $0x204  }
0x3: {  	s0 =	stileid.u32;
	v17 =	vimm.s32 $0x205;
	v18 =	vimm.s32 $0x206;
	v19 =	vimm.s32 $0x207  }
0x4: {  	s1 =	srdreg.scid;
	s5 =	rddreg [dreg:$0x0];
	v20 =	vimm.s32 $0x208;
	v23 =	vimm.s32 $0x211;
	v24 =	vimm.s32 $0x212  }
0x5: {  	s8 =	simm.s32 $0x8680;
	s9 =	simm.s32 $0x1;
	v25 =	vimm.s32 $0x213;
	v26 =	vimm.s32 $0x214;
	s2 =	sshll.u32 s0, $0x4;
	v5 =	vmul.u32 $0x10, v4  }
0x6: {  	s10 =	simm.s32 $0x80;
	s11 =	simm.s32 $0x480;
	s3 =	sand.u32 $0x1, s1;
	v7 =	vmov s0;
	v22 =	vshrl.u32 v4, $0x2;
	v1 =	vor.u32 s2, v4  }
0x7: {  	s12 =	simm.s32 $0x500;
	s13 =	simm.s32 $0x580;
	s4 =	sshll.u32 s3, $0xD;
	v21 =	vor.u32 $0x204, v22;
	v0 =	vshll.u32 v1, $0x6;
	v6 =	vshll.u32 v1, $0x5  }
0x8: {  	s14 =	simm.s32 $0x600;
	s15 =	simm.s32 $0x280;
	s16 =	simm.s32 $0x680;
	v1 =	vor.u32 s0, v5;
	v2 =	vmov s4;
	vm0 =	veq.s32 v7, v5  }
0x9: {  	s17 =	simm.s32 $0x300;
	s18 =	simm.s32 $0x4680;
	s19 =	simm.s32 $0x380;
	v7 =	vadd.s32 $0xFFFFFFFF, v22;
	v5 =	vor.u32 $0x100, v5;
	v3 =	vand.u32 $0x3F, v1  }
0xa: {  	s20 =	simm.s32 $0x400;
	s1 =	rddreg [dreg:$0x2];
	s6 =	ssub.s32 $0x2, s3;
	v4 =	vor.u32 s4, v6;
	v5 =	vor.u32 s0, v5;
	vm1 =	vne.s32 v3, $0x0  }
0xb: {  	s2 =	rddreg [dreg:$0x1];
	_ =	strace $0x80000047;
	s7 =	sshrl.u32 s6, $0x1;
	v8 =	vand.u32 $0x3F, v5;
	v9 =	vor.u32 $0x8, v4;
	vm0 =	vmand vm0, vm1  }
0xc: {  	s3 =	sadd.s32 $0xA00, s5;
	s4 =	sadd.s32 $0x40A00, s5;
	s6 =	ssub.s32 s6, s7;
	v10 =	vor.u32 $0x10, v4;
	v11 =	vor.u32 $0x18, v4;
	v7 =	vsel vm0, v7, v22  }
0xd: {  	s5 =	sadd.s32 $0x40C00, s5;
	s7 =	simm.s32 $0x0;
	s6 =	smax.u32 s6, $0x1;
	v22 =	vadd.s32 $0x205, v22;
	v6 =	vadd.s32 $0x200, v7;
	v7 =	vadd.s32 $0x201, v7  }
.LBB2_1:
0xe: {  	[tilespmem:s7], [sflag:$0x1] =	stream.linear.gather [hbm4b:s4+s7], $0x280, $0x38;
	[tilespmem:$0xC680] =	vst v63  }
0xf: {  	_ = 	snop  }
0x10: {  	[tilespmem:s8], [sflag:$0x1] =	stream.linear.gather [hbm4b:s5+s7], $0x4000, $0x38;
	[tilespmem:$0xC680] =	vst v63  }
0x11: {  	_ =	swait.ge [sflag:s9], $0x280  }
0x12: {  	[sflag:s9] =	ssyncset.done $0x0  }
0x13: {  	[sflag:s9] =	ssyncadd.s32 $0xFFFFFD80  }
0x14: {  	_ =	swait.ge [sflag:s9], $0x4000  }
0x15: {  	[sflag:s9] =	ssyncset.done $0x0  }
0x16: {  	[sflag:s9] =	ssyncadd.s32 $0xFFFFC000  }
0x17: {  	v27 =	vld.idx.msk [tilespmem:v12+s7+$0x0], $0xffff  }
0x18: {  	v28 =	vld.idx.msk [tilespmem:v14+s7+$0x0], $0xffff  }
0x19: {  	v29 =	vld.idx.msk [tilespmem:v15+s7+$0x0], $0xffff  }
0x1a: {  	v30 =	vld.idx.msk [tilespmem:v16+s7+$0x0], $0xffff  }
0x1b: {  	v31 =	vld.idx.msk [tilespmem:v17+s7+$0x0], $0xffff  }
0x1c: {  	v32 =	vld.idx.msk [tilespmem:v18+s7+$0x0], $0xffff  }
0x1d: {  	vm0 =	vle.s32 v27, v0;
	vm1 =	vle.s32 v28, v0;
	v27 =	vld.idx.msk [tilespmem:v19+s7+$0x0], $0xffff  }
0x1e: {  	v54 =	vld.idx.msk [tilespmem:v20+s7+$0x0], $0xffff;
	vm11 =	vle.s32 v29, v0;
	v53 =	vsel vm0, $0x1, v13;
	v33 =	vsel vm1, $0x1, v13  }
0x1f: {  	vm12 =	vle.s32 v30, v0;
	v55 =	vsel vm11, $0x1, v13;
	v28 =	vadd.s32 v53, v33  }
0x20: {  	vm13 =	vle.s32 v31, v0;
	v56 =	vsel vm12, $0x1, v13;
	v28 =	vadd.s32 v55, v28  }
0x21: {  	vm14 =	vle.s32 v32, v0;
	v57 =	vsel vm13, $0x1, v13;
	v28 =	vadd.s32 v56, v28  }
0x22: {  	v58 =	vsel vm14, $0x1, v13;
	v28 =	vadd.s32 v57, v28;
	vm15 =	vle.s32 v27, v0  }
0x23: {  	vm4 =	vle.s32 v54, v0;
	v27 =	vadd.s32 v58, v28;
	v59 =	vsel vm15, $0x1, v13  }
0x24: {  	v60 =	vsel vm4, $0x1, v13;
	v27 =	vadd.s32 v59, v27  }
0x25: {  	v27 =	vadd.s32 v60, v27  }
0x26: {  	v28 =	vor.u32 $0x200, v27;
	_ =	sdelay $0x4  }
0x27: {  	v28 =	vld.idx.msk [tilespmem:v28+s7+$0x0], $0xffff;
	_ =	sdelay $0x4  }
0x28: {  	v61 =	vsub.s32 v0, v28;
	vm5 =	vne.s32 v0, v28  }
0x29: {  	v62 =	vshra.s32 v61, $0x1F;
	v63 =	vsel vm5, $0x1, v13  }
0x2a: {  	v34 =	vand.u32 $0x3F, v61;
	v33 =	vshrl.u32 v62, $0x1A;
	v28 =	vor.u32 v63, v62  }
0x2b: {  	vm7 =	vne.s32 v34, $0x0;
	v29 =	vadd.s32 v33, v61;
	vm6 =	vne.s32 v28, $0x1  }
0x2c: {  	v37 =	vld.idx.msk [tilespmem:v6+s7+$0x0], $0xffff;
	v27 =	vshll.u32 v27, $0x6;
	v35 =	vshra.s32 v29, $0x6;
	vm0 =	vmand vm7, vm6  }
0x2d: {  	v38 =	vld.idx.msk [tilespmem:v7+s7+$0x0], $0xffff;
	v36 =	vsel vm0, $0xFFFFFFFF, v13;
	v27 =	vadd.s32 v35, v27  }
0x2e: {  	v27 =	vadd.s32 v36, v27;
	_ =	sdelay $0x3  }
0x2f: {  	v41 =	vld.idx.msk [tilespmem:v1+s7+$0x0], $0xffff;
	v39 =	vsub.s32 v38, v37;
	vm8 =	vne.s32 v38, v37  }
0x30: {  	v40 =	vshra.s32 v39, $0x1F;
	v29 =	vsel vm8, $0x1, v13;
	v27 =	vld.idx.msk [tilespmem:v27+s7+$0x0], $0xffff  }
0x31: {  	v42 =	vand.u32 $0x3F, v39;
	v29 =	vor.u32 v29, v40  }
0x32: {  	vm10 =	vne.s32 v42, $0x0;
	v28 =	vshrl.u32 v40, $0x1A;
	vm9 =	vne.s32 v29, $0x1  }
0x33: {  	v28 =	vadd.s32 v28, v39;
	vm0 =	vmand vm10, vm9  }
0x34: {  	v28 =	vshra.s32 v28, $0x6;
	v43 =	vsel vm0, $0xFFFFFFFF, v13  }
0x35: {  	v44 =	vshll.u32 v41, $0x4;
	v28 =	vadd.s32 v43, v28;
	v27 =	vshll.u32 v27, $0x4  }
0x36: {  	v45 =	vadd.s32 v2, v44;
	vm11 =	vlt.s32 v3, v28;
	v27 =	vadd.s32 v2, v27  }
0x37: {  	v28 =	vsel vm11, v27, v45  }
0x38: {  	[tilespmem:$0x480] =	vst v28;
	v46 =	vor.u32 $0x1, v28  }
0x39: {  	v47 =	vor.u32 $0x2, v28;
	[tilespmem:$0x490] =	vst v46  }
0x3a: {  	v48 =	vor.u32 $0x3, v28;
	[tilespmem:$0x4A0] =	vst v47  }
0x3b: {  	v49 =	vor.u32 $0x4, v28;
	[tilespmem:$0x4B0] =	vst v48  }
0x3c: {  	v50 =	vor.u32 $0x5, v28;
	[tilespmem:$0x4C0] =	vst v49  }
0x3d: {  	v51 =	vor.u32 $0x6, v28;
	[tilespmem:$0x4D0] =	vst v50  }
0x3e: {  	v52 =	vor.u32 $0x7, v28;
	[tilespmem:$0x4E0] =	vst v51  }
0x3f: {  	v53 =	vor.u32 $0x8, v28;
	[tilespmem:$0x4F0] =	vst v52  }
0x40: {  	v54 =	vor.u32 $0x9, v28;
	[tilespmem:$0x500] =	vst v53  }
0x41: {  	v55 =	vor.u32 $0xA, v28;
	[tilespmem:$0x510] =	vst v54  }
0x42: {  	v56 =	vor.u32 $0xB, v28;
	[tilespmem:$0x520] =	vst v55  }
0x43: {  	v57 =	vor.u32 $0xC, v28;
	[tilespmem:$0x530] =	vst v56  }
0x44: {  	v58 =	vor.u32 $0xD, v28;
	[tilespmem:$0x540] =	vst v57  }
0x45: {  	v59 =	vor.u32 $0xE, v28;
	[tilespmem:$0x550] =	vst v58  }
0x46: {  	v28 =	vor.u32 $0xF, v28;
	[tilespmem:$0x560] =	vst v59  }
0x47: {  	[tilespmem:$0x570] =	vst v28  }
0x48: {  	[hbm4b:s2+s10] =	stream.indirect.scatter [tilespmem:s8], [sflag:$0x1], $0x80, s11, s10, $0xb8;
	[tilespmem:$0xC680] =	vst v63  }
0x49: {  	_ = 	snop  }
0x4a: {  	[hbm4b:s2+s10] =	stream.indirect.scatter [tilespmem:s8], [sflag:$0x1], $0x80, s12, s10, $0xb8;
	[tilespmem:$0xC680] =	vst v63  }
0x4b: {  	v28 =	vld.idx.msk [tilespmem:v21+s7+$0x0], $0xffff  }
0x4c: {  	v29 =	vld.idx.msk [tilespmem:v22+s7+$0x0], $0xffff;
	_ =	sdelay $0x4  }
0x4d: {  	v60 =	vsub.s32 v29, v28;
	vm12 =	vne.s32 v29, v28  }
0x4e: {  	v62 =	vld.idx.msk [tilespmem:v5+s7+$0x0], $0xffff;
	v61 =	vshra.s32 v60, $0x1F;
	v29 =	vsel vm12, $0x1, v13  }
0x4f: {  	v63 =	vand.u32 $0x3F, v60;
	v29 =	vor.u32 v29, v61  }
0x50: {  	v28 =	vshrl.u32 v61, $0x1A;
	vm14 =	vne.s32 v63, $0x0;
	vm13 =	vne.s32 v29, $0x1  }
0x51: {  	v28 =	vadd.s32 v28, v60;
	vm0 =	vmand vm14, vm13  }
0x52: {  	v28 =	vshra.s32 v28, $0x6;
	v33 =	vsel vm0, $0xFFFFFFFF, v13  }
0x53: {  	v34 =	vshll.u32 v62, $0x4;
	v28 =	vadd.s32 v33, v28  }
0x54: {  	v35 =	vadd.s32 v2, v34;
	vm15 =	vlt.s32 v8, v28  }
0x55: {  	v28 =	vsel vm15, v27, v35  }
0x56: {  	[tilespmem:$0x580] =	vst v28;
	v36 =	vor.u32 $0x1, v28  }
0x57: {  	v37 =	vor.u32 $0x2, v28;
	[tilespmem:$0x590] =	vst v36  }
0x58: {  	v38 =	vor.u32 $0x3, v28;
	[tilespmem:$0x5A0] =	vst v37  }
0x59: {  	v39 =	vor.u32 $0x4, v28;
	[tilespmem:$0x5B0] =	vst v38  }
0x5a: {  	v40 =	vor.u32 $0x5, v28;
	[tilespmem:$0x5C0] =	vst v39  }
0x5b: {  	v41 =	vor.u32 $0x6, v28;
	[tilespmem:$0x5D0] =	vst v40  }
0x5c: {  	v42 =	vor.u32 $0x7, v28;
	[tilespmem:$0x5E0] =	vst v41  }
0x5d: {  	v43 =	vor.u32 $0x8, v28;
	[tilespmem:$0x5F0] =	vst v42  }
0x5e: {  	v44 =	vor.u32 $0x9, v28;
	[tilespmem:$0x600] =	vst v43  }
0x5f: {  	v45 =	vor.u32 $0xA, v28;
	[tilespmem:$0x610] =	vst v44  }
0x60: {  	v46 =	vor.u32 $0xB, v28;
	[tilespmem:$0x620] =	vst v45  }
0x61: {  	v47 =	vor.u32 $0xC, v28;
	[tilespmem:$0x630] =	vst v46  }
0x62: {  	v48 =	vor.u32 $0xD, v28;
	[tilespmem:$0x640] =	vst v47  }
0x63: {  	v49 =	vor.u32 $0xE, v28;
	[tilespmem:$0x650] =	vst v48  }
0x64: {  	v28 =	vor.u32 $0xF, v28;
	[tilespmem:$0x660] =	vst v49  }
0x65: {  	[tilespmem:$0x670] =	vst v28  }
0x66: {  	[hbm4b:s2+s10] =	stream.indirect.scatter [tilespmem:s8], [sflag:$0x1], $0x80, s13, s10, $0xb8;
	[tilespmem:$0xC680] =	vst v63  }
0x67: {  	_ = 	snop  }
0x68: {  	[hbm4b:s2+s10] =	stream.indirect.scatter [tilespmem:s8], [sflag:$0x1], $0x80, s14, s10, $0xb8;
	[tilespmem:$0xC680] =	vst v63  }
0x69: {  	v28 =	vld.idx.msk [tilespmem:v23+s7+$0x0], $0xffff;
	_ =	sdelay $0x4  }
0x6a: {  	[tilespmem:$0x380] =	vst v27;
	v28 =	vadd.s32 v4, v28  }
0x6b: {  	[tilespmem:$0x280] =	vst v28  }
0x6c: {  	v28 =	vld.idx.msk [tilespmem:v24+s7+$0x0], $0xffff;
	_ =	sdelay $0x3  }
0x6d: {  	v50 =	vor.u32 $0x1, v27  }
0x6e: {  	[tilespmem:$0x390] =	vst v50;
	v28 =	vadd.s32 v4, v28  }
0x6f: {  	[tilespmem:$0x290] =	vst v28  }
0x70: {  	v28 =	vld.idx.msk [tilespmem:v25+s7+$0x0], $0xffff;
	_ =	sdelay $0x3  }
0x71: {  	v51 =	vor.u32 $0x2, v27  }
0x72: {  	[tilespmem:$0x3A0] =	vst v51;
	v28 =	vadd.s32 v4, v28  }
0x73: {  	[tilespmem:$0x2A0] =	vst v28  }
0x74: {  	v28 =	vld.idx.msk [tilespmem:v26+s7+$0x0], $0xffff;
	_ =	sdelay $0x3  }
0x75: {  	v52 =	vor.u32 $0x3, v27  }
0x76: {  	[tilespmem:$0x3B0] =	vst v52;
	v28 =	vadd.s32 v4, v28  }
0x77: {  	[tilespmem:$0x2B0] =	vst v28  }
0x78: {  	v28 =	vld.idx.msk [tilespmem:v23+s7+$0x0], $0xffff;
	_ =	sdelay $0x3  }
0x79: {  	v53 =	vor.u32 $0x4, v27  }
0x7a: {  	[tilespmem:$0x3C0] =	vst v53;
	v28 =	vadd.s32 v9, v28  }
0x7b: {  	[tilespmem:$0x2C0] =	vst v28  }
0x7c: {  	v28 =	vld.idx.msk [tilespmem:v24+s7+$0x0], $0xffff;
	_ =	sdelay $0x3  }
0x7d: {  	v54 =	vor.u32 $0x5, v27  }
0x7e: {  	[tilespmem:$0x3D0] =	vst v54;
	v28 =	vadd.s32 v9, v28  }
0x7f: {  	[tilespmem:$0x2D0] =	vst v28  }
0x80: {  	v28 =	vld.idx.msk [tilespmem:v25+s7+$0x0], $0xffff;
	_ =	sdelay $0x3  }
0x81: {  	v55 =	vor.u32 $0x6, v27  }
0x82: {  	[tilespmem:$0x3E0] =	vst v55;
	v28 =	vadd.s32 v9, v28  }
0x83: {  	[tilespmem:$0x2E0] =	vst v28  }
0x84: {  	v28 =	vld.idx.msk [tilespmem:v26+s7+$0x0], $0xffff;
	_ =	sdelay $0x3  }
0x85: {  	v56 =	vor.u32 $0x7, v27  }
0x86: {  	[tilespmem:$0x3F0] =	vst v56;
	v28 =	vadd.s32 v9, v28  }
0x87: {  	[tilespmem:$0x2F0] =	vst v28  }
0x88: {  	v28 =	vld.idx.msk [tilespmem:v23+s7+$0x0], $0xffff;
	_ =	sdelay $0x3  }
0x89: {  	v57 =	vor.u32 $0x8, v27  }
0x8a: {  	[tilespmem:$0x400] =	vst v57;
	v28 =	vadd.s32 v10, v28  }
0x8b: {  	[tilespmem:$0x300] =	vst v28  }
0x8c: {  	v28 =	vld.idx.msk [tilespmem:v24+s7+$0x0], $0xffff;
	_ =	sdelay $0x3  }
0x8d: {  	v58 =	vor.u32 $0x9, v27  }
0x8e: {  	[tilespmem:$0x410] =	vst v58;
	v28 =	vadd.s32 v10, v28  }
0x8f: {  	[tilespmem:$0x310] =	vst v28  }
0x90: {  	v28 =	vld.idx.msk [tilespmem:v25+s7+$0x0], $0xffff;
	_ =	sdelay $0x3  }
0x91: {  	v59 =	vor.u32 $0xA, v27  }
0x92: {  	[tilespmem:$0x420] =	vst v59;
	v28 =	vadd.s32 v10, v28  }
0x93: {  	[tilespmem:$0x320] =	vst v28  }
0x94: {  	v28 =	vld.idx.msk [tilespmem:v26+s7+$0x0], $0xffff;
	_ =	sdelay $0x3  }
0x95: {  	v60 =	vor.u32 $0xB, v27  }
0x96: {  	[tilespmem:$0x430] =	vst v60;
	v28 =	vadd.s32 v10, v28  }
0x97: {  	[tilespmem:$0x330] =	vst v28  }
0x98: {  	v28 =	vld.idx.msk [tilespmem:v23+s7+$0x0], $0xffff;
	_ =	sdelay $0x3  }
0x99: {  	v61 =	vor.u32 $0xC, v27  }
0x9a: {  	[tilespmem:$0x440] =	vst v61;
	v28 =	vadd.s32 v11, v28  }
0x9b: {  	[tilespmem:$0x340] =	vst v28  }
0x9c: {  	v28 =	vld.idx.msk [tilespmem:v24+s7+$0x0], $0xffff;
	_ =	sdelay $0x3  }
0x9d: {  	v62 =	vor.u32 $0xD, v27  }
0x9e: {  	[tilespmem:$0x450] =	vst v62;
	v28 =	vadd.s32 v11, v28  }
0x9f: {  	[tilespmem:$0x350] =	vst v28  }
0xa0: {  	v28 =	vld.idx.msk [tilespmem:v25+s7+$0x0], $0xffff;
	_ =	sdelay $0x3  }
0xa1: {  	v63 =	vor.u32 $0xE, v27  }
0xa2: {  	[tilespmem:$0x460] =	vst v63;
	v28 =	vadd.s32 v11, v28  }
0xa3: {  	[tilespmem:$0x360] =	vst v28  }
0xa4: {  	v28 =	vld.idx.msk [tilespmem:v26+s7+$0x0], $0xffff;
	_ =	sdelay $0x3  }
0xa5: {  	v27 =	vor.u32 $0xF, v27  }
0xa6: {  	[tilespmem:$0x470] =	vst v27;
	v28 =	vadd.s32 v11, v28  }
0xa7: {  	[tilespmem:$0x370] =	vst v28  }
0xa8: {  	[tilespmem:s16], [sflag:$0x1] =	stream.indirect.gather [hbm4b:s3+s10], $0x80, s15, s10, $0xb8;
	[tilespmem:$0xC680] =	vst v63  }
0xa9: {  	_ = 	snop  }
0xaa: {  	[tilespmem:s18], [sflag:$0x1] =	stream.indirect.gather [hbm4b:s3+s10], $0x80, s17, s10, $0xb8;
	[tilespmem:$0xC680] =	vst v63  }
0xab: {  	_ =	swait.ge [sflag:s9], $0x4000  }
0xac: {  	[sflag:s9] =	ssyncset.done $0x0  }
0xad: {  	[sflag:s9] =	ssyncadd.s32 $0xFFFFC000  }
0xae: {  	_ =	swait.ge [sflag:s9], $0x4000  }
0xaf: {  	[sflag:s9] =	ssyncset.done $0x0  }
0xb0: {  	[sflag:s9] =	ssyncadd.s32 $0xFFFFC000  }
0xb1: {  	_ =	swait.ge [sflag:s9], $0x4000  }
0xb2: {  	[sflag:s9] =	ssyncset.done $0x0  }
0xb3: {  	[sflag:s9] =	ssyncadd.s32 $0xFFFFC000  }
0xb4: {  	_ =	swait.ge [sflag:s9], $0x4000  }
0xb5: {  	[sflag:s9] =	ssyncset.done $0x0  }
0xb6: {  	[sflag:s9] =	ssyncadd.s32 $0xFFFFC000  }
0xb7: {  	_ =	swait.ge [sflag:s9], $0x4000  }
0xb8: {  	[sflag:s9] =	ssyncset.done $0x0  }
0xb9: {  	[sflag:s9] =	ssyncadd.s32 $0xFFFFC000  }
0xba: {  	_ =	swait.ge [sflag:s9], $0x4000  }
0xbb: {  	[sflag:s9] =	ssyncset.done $0x0  }
0xbc: {  	[sflag:s9] =	ssyncadd.s32 $0xFFFFC000  }
0xbd: {  	[hbm4b:s2+s10] =	stream.indirect.scatter [tilespmem:s16], [sflag:$0x1], $0x80, s19, s10, $0xb8;
	[tilespmem:$0xC680] =	vst v63  }
0xbe: {  	_ = 	snop  }
0xbf: {  	[hbm4b:s2+s10] =	stream.indirect.scatter [tilespmem:s18], [sflag:$0x1], $0x80, s20, s10, $0xb8;
	[tilespmem:$0xC680] =	vst v63  }
0xc0: {  	p0 =	sne.s32 s6, $0x1;
	_ =	swait.ge [sflag:s9], $0x4000  }
.Ltmp0:
0xc1: {  	[sflag:s9] =	ssyncset.done $0x0;
	(pc) =	sbr.rel @p0 .LBB2_1-.Ltmp0, $4  }
0xc2: {  	[sflag:s9] =	ssyncadd.s32 $0xFFFFC000  }
0xc3: {  	_ =	swait.ge [sflag:s9], $0x4000  }
0xc4: {  	[sflag:s9] =	ssyncset.done $0x0  }
0xc5: {  	s6 =	sadd.s32 $0xFFFFFFFF, s6;
	[sflag:s9] =	ssyncadd.s32 $0xFFFFC000  }
0xc6: {  	_ =	sfence.sel $0x180000  }
0xc7: {  	[bflag:$0x0] =	sbarrier.arrive $0xFFFF  }
0xc8: {  	p0 =	sne.s32 s0, $0x0;
	_ =	strace $0x90000047  }
0xc9: {  	s0 =	sadd.s32 @!p0 $0x100000, s1;
	[bflag:$0x2] =	sbarrier.arrive $0xFFFF  }
0xca: {  	[sflag:s0] =	ssyncadd.tile.s32 @!p0 $0x1;
	_ =	shalt  }
.Lfunc_end2:
_tile_overlayer_lowered:
.L_overlay_start_2:
0xcb: {  	(tag) =	ssettag $0x2  }
0xcc: {  	s0 =	rddreg [dreg:$0x0];
	s2 =	stileid.u32  }
0xcd: {  	s1 =	rddreg [dreg:$0x1];
	p0 =	sne.s32 s2, $0x0  }
0xce: {  	s3 =	rddreg [dreg:$0x2];
	[bflag:$0x3] =	sbarrier.arrive $0xFFFF;
	s2 =	simm.s32 @!p0 $0x1C02  }
0xcf: {  	[timem:s3], [sflag:s2] =	dma.local @!p0 [hbm:s0], s1  }
0xd0: {  	s0 =	simm.s32 @!p0 $0x2  }
0xd1: {  	_ =	swait.ge @!p0 [sflag:s0], s1  }
0xd2: {  	s1 =	ssub.s32 @!p0 $0x0, s1;
	[sflag:s0] =	ssyncset.done @!p0 $0x0  }
0xd3: {  	[sflag:s0] =	ssyncadd.s32 @!p0 s1  }
0xd4: {  	[bflag:$0x3] =	sbarrier.arrive $0xFFFF  }
0xd5: {  	_ =	shalt  }

</sc_bundles>
